<compile_context>
chip_gen: v7x
topology: tpu7x:2x2x1
jax: 0.10.2.dev20260603
libtpu: 0.0.44.dev20260713+nightly
codegen_flags: <defaults>
</compile_context>

<pallas_src>
import jax
import jax.numpy as jnp
from jax import lax
from jax.experimental import pallas as pl
from jax.experimental.pallas import tpu as pltpu
from jax.experimental.pallas import tpu_sc as plsc

_B = 4096
_QL = 20
_DL = 200
_EMBED = 64
_OUTW = 128
_NC = 2
_NS = 16
_NW = _NC * _NS
_RPW = _B // _NW


def _sum_rows(buf_v, base, n, outb_v, out_row):
    def tok(j, accs):
        return tuple(
            accs[c] + buf_v[base + j, pl.ds(16 * c, 16)] for c in range(4)
        )
    accs = lax.fori_loop(
        0, n, tok, tuple(jnp.zeros((16,), jnp.float32) for _ in range(4))
    )
    for c in range(4):
        outb_v[out_row, pl.ds(16 * c, 16)] = accs[c]


def _make_phase_body(seq_len, ch_rows):
    k = ch_rows * seq_len
    nch = _RPW // ch_rows

    def body(idx_ref, tab_ref, out_ref, idx_v, buf_v, outb_v, sem):
        wid = lax.axis_index("s") * _NC + lax.axis_index("c")
        base = wid * _RPW * seq_len

        def chunk(ch, carry):
            pltpu.sync_copy(idx_ref.at[pl.ds(base + ch * k, k)], idx_v)
            pltpu.async_copy(tab_ref.at[idx_v], buf_v, sem).wait()
            for r in range(ch_rows):
                _sum_rows(buf_v, r * seq_len, seq_len, outb_v,
                          ch * ch_rows + r)
            return carry

        lax.fori_loop(0, nch, chunk, 0)
        pltpu.sync_copy(outb_v, out_ref.at[pl.ds(wid * _RPW, _RPW)])

    return body


def _sc_phase(idx_flat, table, seq_len, ch_rows):
    mesh = plsc.VectorSubcoreMesh(core_axis_name="c", subcore_axis_name="s")
    k = ch_rows * seq_len
    scratch = [
        pltpu.VMEM((k,), jnp.int32),
        pltpu.VMEM((k, _EMBED), jnp.float32),
        pltpu.VMEM((_RPW, _OUTW), jnp.float32),
        pltpu.SemaphoreType.DMA,
    ]
    f = pl.kernel(_make_phase_body(seq_len, ch_rows),
                  out_type=jax.ShapeDtypeStruct((_B, _OUTW), jnp.float32),
                  mesh=mesh, scratch_types=scratch,
                  compiler_params=pltpu.CompilerParams(
                      use_tc_tiling_on_sc=False))
    return f(idx_flat, table)


def _epilogue_body(qs_ref, ds_ref, o_ref):
    q = jnp.tanh(qs_ref[:, :_EMBED] * (1.0 / _QL))
    d = jnp.tanh(ds_ref[:, :_EMBED] * (1.0 / _DL))
    qn = jnp.sqrt(jnp.sum(q * q, axis=1, keepdims=True))
    dn = jnp.sqrt(jnp.sum(d * d, axis=1, keepdims=True))
    q = q / jnp.maximum(qn, 1e-12)
    d = d / jnp.maximum(dn, 1e-12)
    o_ref[...] = jnp.sum(q * d, axis=1)


def _tc_epilogue(q_sum, d_sum):
    return pl.pallas_call(
        _epilogue_body,
        out_shape=jax.ShapeDtypeStruct((_B,), jnp.float32),
    )(q_sum, d_sum)


def kernel(qs, ds, rels, q_table, d_table):
    del rels
    q_sum = _sc_phase(qs.reshape(-1), q_table, _QL, 16)
    d_sum = _sc_phase(ds.reshape(-1), d_table, _DL, 4)
    return _tc_epilogue(q_sum, d_sum)

# --- scband reference (transcript-rebuilt; emitter-appended) ---
"""Pipeline reference for scband-simple-dssm-44693429682632 (READ-ONLY COPY).

The authoritative reference and input builder live on the scoring server;
editing this copy changes nothing except your own understanding.
"""

import jax, jax.numpy as jnp
import numpy as np

B = 4096
QL = 20
DL = 200
Q_VOCAB = 1000000
D_VOCAB = 1000000
EMBED = 64


def _normalize(x, eps=1e-12):
    # faithful to torch.nn.functional.normalize(p=2, dim=1)
    norm = jnp.sqrt(jnp.sum(x * x, axis=1, keepdims=True))
    return x / jnp.maximum(norm, eps)


def setup_inputs(seed: int = 0) -> dict:
    key = jax.random.key(seed)
    k1, k2, k3, k4, k5 = jax.random.split(key, 5)
    qs = jax.random.randint(k1, (B, QL), 0, Q_VOCAB, dtype=jnp.int32)
    ds = jax.random.randint(k2, (B, DL), 0, D_VOCAB, dtype=jnp.int32)
    rels = jax.random.uniform(k3, (B,), dtype=jnp.float32) * 2.0
    q_table = jax.random.normal(k4, (Q_VOCAB, EMBED), dtype=jnp.float32)
    d_table = jax.random.normal(k5, (D_VOCAB, EMBED), dtype=jnp.float32)
    return {"qs": qs, "ds": ds, "rels": rels, "q_table": q_table, "d_table": d_table}


def reference(qs, ds, rels, q_table, d_table):
    # embedding lookups (gather)
    qs_input = jnp.take(q_table, qs, axis=0)  # [B, QL, EMBED]
    ds_input = jnp.take(d_table, ds, axis=0)  # [B, DL, EMBED]
    q_rep = jnp.tanh(jnp.mean(qs_input, axis=1))  # [B, EMBED]
    d_rep = jnp.tanh(jnp.mean(ds_input, axis=1))  # [B, EMBED]
    norm_x = _normalize(q_rep)
    norm_y = _normalize(d_rep)
    sims = jnp.einsum('bs,bs->b', norm_x, norm_y)  # [B]
    # original module returns (q_rep.shape, d_rep.shape, sims); the only tensor output is sims
    return sims

if __name__ == "__main__":
    import jax
    _d = setup_inputs()
    print(jax.jit(kernel)(*tuple(_d.values())))

</pallas_src>

<mosaic_0001>
#map = affine_map<(d0, d1) -> (0)>
#map1 = affine_map<(d0, d1) -> (0, 0)>
module attributes {stable_mosaic.version = 14 : i64} {
  func.func @body(%arg0: i32, %arg1: i32, %arg2: memref<819200xi32, #tpu.memory_space<hbm>>, %arg3: memref<1000000x64xf32, #tpu.memory_space<hbm>>, %arg4: memref<4096x128xf32, #tpu.memory_space<hbm>>, %arg5: memref<800xi32, #tpu.memory_space<vmem>>, %arg6: memref<800x64xf32, #tpu.memory_space<vmem>>, %arg7: memref<128x128xf32, #tpu.memory_space<vmem>>, %arg8: memref<!tpu.dma_semaphore, #tpu.memory_space<semaphore_mem>>) attributes {dimension_semantics = [#tpu.dimension_semantics<core_parallel>, #tpu.dimension_semantics<subcore_parallel>], iteration_bounds = array<i64: 2, 16>, scalar_prefetch = 0 : i64, scratch_operands = 4 : i64, tpu.core_type = #tpu.core_type<sc_vector_subcore>, window_params = [{transform_indices = #map}, {transform_indices = #map1}, {transform_indices = #map1}]} {
    %mul3A = arith.constant 2 : i32
    %mul3A_0 = arith.muli %arg1, %mul3A : i32
    %add3A = arith.addi %mul3A_0, %arg0 : i32
    %mul3A_1 = arith.constant 128 : i32
    %mul3A_2 = arith.muli %add3A, %mul3A_1 : i32
    %mul3A_3 = arith.constant 200 : i32
    %mul3A_4 = arith.muli %mul3A_2, %mul3A_3 : i32
    %scan3A = arith.constant 0 : i32
    %scan3A_5 = arith.constant 0 : i32
    %scan3A_6 = arith.constant 32 : i32
    %scan3A_7 = arith.addi %scan3A_5, %scan3A_6 : i32
    %scan3A_8 = arith.constant 1 : i32
    scf.for %scan3A_12 = %scan3A_5 to %scan3A_7 step %scan3A_8  : i32 {
      %mul3A_13 = arith.constant 800 : i32
      %mul3A_14 = arith.muli %scan3A_12, %mul3A_13 : i32
      %add3A_15 = arith.addi %mul3A_4, %mul3A_14 : i32
      "tpu.region"() ({
        %run_scoped3A = tpu.sem_alloc : memref<!tpu.dma_semaphore, #tpu.memory_space<semaphore_mem>>
        %dma_start3A_170 = tpu.memref_slice %arg2[%add3A_15] : memref<819200xi32, #tpu.memory_space<hbm>> -> memref<800xi32, #tpu.memory_space<hbm>>
        %dma_start3A_171 = tpu.memref_slice %arg2[%add3A_15] : memref<819200xi32, #tpu.memory_space<hbm>> -> memref<800xi32, #tpu.memory_space<hbm>>
        tpu.enqueue_dma source(%dma_start3A_171 : memref<800xi32, #tpu.memory_space<hbm>>) target(%arg5 : memref<800xi32, #tpu.memory_space<vmem>>) target_semaphore(%run_scoped3A : memref<!tpu.dma_semaphore, #tpu.memory_space<semaphore_mem>>)
        %dma_wait3A_172 = tpu.memref_slice %arg2[%add3A_15] : memref<819200xi32, #tpu.memory_space<hbm>> -> memref<800xi32, #tpu.memory_space<hbm>>
        %dma_wait3A_173 = tpu.memref_slice %arg2[%add3A_15] : memref<819200xi32, #tpu.memory_space<hbm>> -> memref<800xi32, #tpu.memory_space<hbm>>
        tpu.wait_dma2 semaphore(%run_scoped3A : memref<!tpu.dma_semaphore, #tpu.memory_space<semaphore_mem>>) src(%dma_wait3A_173 : memref<800xi32, #tpu.memory_space<hbm>>) dst(%arg5 : memref<800xi32, #tpu.memory_space<vmem>>)
        tpu.yield
      }) : () -> ()
      %dma_start3A = arith.constant 0 : i32
      %dma_start3A_16 = arith.constant 0 : i32
      %dma_start3A_17 = tpu.memref_slice %arg3[%dma_start3A, %dma_start3A_16] : memref<1000000x64xf32, #tpu.memory_space<hbm>> -> memref<1000000x64xf32, #tpu.memory_space<hbm>>
      tpu.enqueue_indirect_dma source(%dma_start3A_17 : memref<1000000x64xf32, #tpu.memory_space<hbm>>) target(%arg6 : memref<800x64xf32, #tpu.memory_space<vmem>>) offsets(%arg5 : memref<800xi32, #tpu.memory_space<vmem>>) semaphore(%arg8 : memref<!tpu.dma_semaphore, #tpu.memory_space<semaphore_mem>>)
      %dma_wait3A = arith.constant 0 : i32
      %dma_wait3A_18 = arith.constant 0 : i32
      %dma_wait3A_19 = tpu.memref_slice %arg3[%dma_wait3A, %dma_wait3A_18] : memref<1000000x64xf32, #tpu.memory_space<hbm>> -> memref<1000000x64xf32, #tpu.memory_space<hbm>>
      tpu.wait_indirect_dma semaphore(%arg8 : memref<!tpu.dma_semaphore, #tpu.memory_space<semaphore_mem>>) src(%dma_wait3A_19 : memref<1000000x64xf32, #tpu.memory_space<hbm>>) dst(%arg6 : memref<800x64xf32, #tpu.memory_space<vmem>>)
      %mul3A_20 = arith.constant 4 : i32
      %mul3A_21 = arith.muli %scan3A_12, %mul3A_20 : i32
      %add3A_22 = arith.constant 0 : i32
      %add3A_23 = arith.addi %mul3A_21, %add3A_22 : i32
      %broadcast_in_dim3A = arith.constant 0.000000e+00 : f32
      %broadcast_in_dim3A_24 = vector.broadcast %broadcast_in_dim3A : f32 to vector<16xf32>
      %broadcast_in_dim3A_25 = arith.constant 0.000000e+00 : f32
      %broadcast_in_dim3A_26 = vector.broadcast %broadcast_in_dim3A_25 : f32 to vector<16xf32>
      %broadcast_in_dim3A_27 = arith.constant 0.000000e+00 : f32
      %broadcast_in_dim3A_28 = vector.broadcast %broadcast_in_dim3A_27 : f32 to vector<16xf32>
      %broadcast_in_dim3A_29 = arith.constant 0.000000e+00 : f32
      %broadcast_in_dim3A_30 = vector.broadcast %broadcast_in_dim3A_29 : f32 to vector<16xf32>
      %scan3A_31 = arith.constant 0 : i32
      %scan3A_32 = arith.constant 200 : i32
      %scan3A_33 = arith.addi %scan3A_31, %scan3A_32 : i32
      %scan3A_34 = arith.constant 1 : i32
      %scan3A_35:4 = scf.for %scan3A_170 = %scan3A_31 to %scan3A_33 step %scan3A_34 iter_args(%scan3A_171 = %broadcast_in_dim3A_24, %scan3A_172 = %broadcast_in_dim3A_26, %scan3A_173 = %broadcast_in_dim3A_28, %scan3A_174 = %broadcast_in_dim3A_30) -> (vector<16xf32>, vector<16xf32>, vector<16xf32>, vector<16xf32>)  : i32 {
        %add3A_175 = arith.constant 0 : i32
        %add3A_176 = arith.addi %add3A_175, %scan3A_170 : i32
        %get3A = arith.index_cast %add3A_176 : i32 to index
        %get3A_177 = arith.constant 0 : index
        %get3A_178 = tpu.vector_load %arg6[%get3A, %get3A_177] {strides = array<i32>} : memref<800x64xf32, #tpu.memory_space<vmem>>, vector<1x16xf32>,
        %get3A_179 = vector.shape_cast %get3A_178 : vector<1x16xf32> to vector<16xf32>
        %add3A_180 = arith.addf %scan3A_171, %get3A_179 : vector<16xf32>
        %add3A_181 = arith.constant 0 : i32
        %add3A_182 = arith.addi %add3A_181, %scan3A_170 : i32
        %get3A_183 = arith.index_cast %add3A_182 : i32 to index
        %get3A_184 = arith.constant 16 : index
        %get3A_185 = tpu.vector_load %arg6[%get3A_183, %get3A_184] {strides = array<i32>} : memref<800x64xf32, #tpu.memory_space<vmem>>, vector<1x16xf32>,
        %get3A_186 = vector.shape_cast %get3A_185 : vector<1x16xf32> to vector<16xf32>
        %add3A_187 = arith.addf %scan3A_172, %get3A_186 : vector<16xf32>
        %add3A_188 = arith.constant 0 : i32
        %add3A_189 = arith.addi %add3A_188, %scan3A_170 : i32
        %get3A_190 = arith.index_cast %add3A_189 : i32 to index
        %get3A_191 = arith.constant 32 : index
        %get3A_192 = tpu.vector_load %arg6[%get3A_190, %get3A_191] {strides = array<i32>} : memref<800x64xf32, #tpu.memory_space<vmem>>, vector<1x16xf32>,
        %get3A_193 = vector.shape_cast %get3A_192 : vector<1x16xf32> to vector<16xf32>
        %add3A_194 = arith.addf %scan3A_173, %get3A_193 : vector<16xf32>
        %add3A_195 = arith.constant 0 : i32
        %add3A_196 = arith.addi %add3A_195, %scan3A_170 : i32
        %get3A_197 = arith.index_cast %add3A_196 : i32 to index
        %get3A_198 = arith.constant 48 : index
        %get3A_199 = tpu.vector_load %arg6[%get3A_197, %get3A_198] {strides = array<i32>} : memref<800x64xf32, #tpu.memory_space<vmem>>, vector<1x16xf32>,
        %get3A_200 = vector.shape_cast %get3A_199 : vector<1x16xf32> to vector<16xf32>
        %add3A_201 = arith.addf %scan3A_174, %get3A_200 : vector<16xf32>
        scf.yield %add3A_180, %add3A_187, %add3A_194, %add3A_201 : vector<16xf32>, vector<16xf32>, vector<16xf32>, vector<16xf32>
      }
      %scan3A_36 = arith.constant 200 : i32
      %swap3A = arith.index_cast %add3A_23 : i32 to index
      %swap3A_37 = arith.constant 0 : index
      %swap3A_38 = tpu.vector_load %arg7[%swap3A, %swap3A_37] {strides = array<i32>} : memref<128x128xf32, #tpu.memory_space<vmem>>, vector<1x16xf32>,
      %swap3A_39 = vector.shape_cast %swap3A_38 : vector<1x16xf32> to vector<16xf32>
      %swap3A_40 = vector.shape_cast %scan3A_35#0 : vector<16xf32> to vector<1x16xf32>
      tpu.vector_store %arg7[%swap3A, %swap3A_37], %swap3A_40 {strides = array<i32>} : memref<128x128xf32, #tpu.memory_space<vmem>>, vector<1x16xf32>,
      %swap3A_41 = arith.index_cast %add3A_23 : i32 to index
      %swap3A_42 = arith.constant 16 : index
      %swap3A_43 = tpu.vector_load %arg7[%swap3A_41, %swap3A_42] {strides = array<i32>} : memref<128x128xf32, #tpu.memory_space<vmem>>, vector<1x16xf32>,
      %swap3A_44 = vector.shape_cast %swap3A_43 : vector<1x16xf32> to vector<16xf32>
      %swap3A_45 = vector.shape_cast %scan3A_35#1 : vector<16xf32> to vector<1x16xf32>
      tpu.vector_store %arg7[%swap3A_41, %swap3A_42], %swap3A_45 {strides = array<i32>} : memref<128x128xf32, #tpu.memory_space<vmem>>, vector<1x16xf32>,
      %swap3A_46 = arith.index_cast %add3A_23 : i32 to index
      %swap3A_47 = arith.constant 32 : index
      %swap3A_48 = tpu.vector_load %arg7[%swap3A_46, %swap3A_47] {strides = array<i32>} : memref<128x128xf32, #tpu.memory_space<vmem>>, vector<1x16xf32>,
      %swap3A_49 = vector.shape_cast %swap3A_48 : vector<1x16xf32> to vector<16xf32>
      %swap3A_50 = vector.shape_cast %scan3A_35#2 : vector<16xf32> to vector<1x16xf32>
      tpu.vector_store %arg7[%swap3A_46, %swap3A_47], %swap3A_50 {strides = array<i32>} : memref<128x128xf32, #tpu.memory_space<vmem>>, vector<1x16xf32>,
      %swap3A_51 = arith.index_cast %add3A_23 : i32 to index
      %swap3A_52 = arith.constant 48 : index
      %swap3A_53 = tpu.vector_load %arg7[%swap3A_51, %swap3A_52] {strides = array<i32>} : memref<128x128xf32, #tpu.memory_space<vmem>>, vector<1x16xf32>,
      %swap3A_54 = vector.shape_cast %swap3A_53 : vector<1x16xf32> to vector<16xf32>
      %swap3A_55 = vector.shape_cast %scan3A_35#3 : vector<16xf32> to vector<1x16xf32>
      tpu.vector_store %arg7[%swap3A_51, %swap3A_52], %swap3A_55 {strides = array<i32>} : memref<128x128xf32, #tpu.memory_space<vmem>>, vector<1x16xf32>,
      %mul3A_56 = arith.constant 4 : i32
      %mul3A_57 = arith.muli %scan3A_12, %mul3A_56 : i32
      %add3A_58 = arith.constant 1 : i32
      %add3A_59 = arith.addi %mul3A_57, %add3A_58 : i32
      %broadcast_in_dim3A_60 = arith.constant 0.000000e+00 : f32
      %broadcast_in_dim3A_61 = vector.broadcast %broadcast_in_dim3A_60 : f32 to vector<16xf32>
      %broadcast_in_dim3A_62 = arith.constant 0.000000e+00 : f32
      %broadcast_in_dim3A_63 = vector.broadcast %broadcast_in_dim3A_62 : f32 to vector<16xf32>
      %broadcast_in_dim3A_64 = arith.constant 0.000000e+00 : f32
      %broadcast_in_dim3A_65 = vector.broadcast %broadcast_in_dim3A_64 : f32 to vector<16xf32>
      %broadcast_in_dim3A_66 = arith.constant 0.000000e+00 : f32
      %broadcast_in_dim3A_67 = vector.broadcast %broadcast_in_dim3A_66 : f32 to vector<16xf32>
      %scan3A_68 = arith.constant 0 : i32
      %scan3A_69 = arith.constant 200 : i32
      %scan3A_70 = arith.addi %scan3A_68, %scan3A_69 : i32
      %scan3A_71 = arith.constant 1 : i32
      %scan3A_72:4 = scf.for %scan3A_170 = %scan3A_68 to %scan3A_70 step %scan3A_71 iter_args(%scan3A_171 = %broadcast_in_dim3A_61, %scan3A_172 = %broadcast_in_dim3A_63, %scan3A_173 = %broadcast_in_dim3A_65, %scan3A_174 = %broadcast_in_dim3A_67) -> (vector<16xf32>, vector<16xf32>, vector<16xf32>, vector<16xf32>)  : i32 {
        %add3A_175 = arith.constant 200 : i32
        %add3A_176 = arith.addi %add3A_175, %scan3A_170 : i32
        %get3A = arith.index_cast %add3A_176 : i32 to index
        %get3A_177 = arith.constant 0 : index
        %get3A_178 = tpu.vector_load %arg6[%get3A, %get3A_177] {strides = array<i32>} : memref<800x64xf32, #tpu.memory_space<vmem>>, vector<1x16xf32>,
        %get3A_179 = vector.shape_cast %get3A_178 : vector<1x16xf32> to vector<16xf32>
        %add3A_180 = arith.addf %scan3A_171, %get3A_179 : vector<16xf32>
        %add3A_181 = arith.constant 200 : i32
        %add3A_182 = arith.addi %add3A_181, %scan3A_170 : i32
        %get3A_183 = arith.index_cast %add3A_182 : i32 to index
        %get3A_184 = arith.constant 16 : index
        %get3A_185 = tpu.vector_load %arg6[%get3A_183, %get3A_184] {strides = array<i32>} : memref<800x64xf32, #tpu.memory_space<vmem>>, vector<1x16xf32>,
        %get3A_186 = vector.shape_cast %get3A_185 : vector<1x16xf32> to vector<16xf32>
        %add3A_187 = arith.addf %scan3A_172, %get3A_186 : vector<16xf32>
        %add3A_188 = arith.constant 200 : i32
        %add3A_189 = arith.addi %add3A_188, %scan3A_170 : i32
        %get3A_190 = arith.index_cast %add3A_189 : i32 to index
        %get3A_191 = arith.constant 32 : index
        %get3A_192 = tpu.vector_load %arg6[%get3A_190, %get3A_191] {strides = array<i32>} : memref<800x64xf32, #tpu.memory_space<vmem>>, vector<1x16xf32>,
        %get3A_193 = vector.shape_cast %get3A_192 : vector<1x16xf32> to vector<16xf32>
        %add3A_194 = arith.addf %scan3A_173, %get3A_193 : vector<16xf32>
        %add3A_195 = arith.constant 200 : i32
        %add3A_196 = arith.addi %add3A_195, %scan3A_170 : i32
        %get3A_197 = arith.index_cast %add3A_196 : i32 to index
        %get3A_198 = arith.constant 48 : index
        %get3A_199 = tpu.vector_load %arg6[%get3A_197, %get3A_198] {strides = array<i32>} : memref<800x64xf32, #tpu.memory_space<vmem>>, vector<1x16xf32>,
        %get3A_200 = vector.shape_cast %get3A_199 : vector<1x16xf32> to vector<16xf32>
        %add3A_201 = arith.addf %scan3A_174, %get3A_200 : vector<16xf32>
        scf.yield %add3A_180, %add3A_187, %add3A_194, %add3A_201 : vector<16xf32>, vector<16xf32>, vector<16xf32>, vector<16xf32>
      }
      %scan3A_73 = arith.constant 200 : i32
      %swap3A_74 = arith.index_cast %add3A_59 : i32 to index
      %swap3A_75 = arith.constant 0 : index
      %swap3A_76 = tpu.vector_load %arg7[%swap3A_74, %swap3A_75] {strides = array<i32>} : memref<128x128xf32, #tpu.memory_space<vmem>>, vector<1x16xf32>,
      %swap3A_77 = vector.shape_cast %swap3A_76 : vector<1x16xf32> to vector<16xf32>
      %swap3A_78 = vector.shape_cast %scan3A_72#0 : vector<16xf32> to vector<1x16xf32>
      tpu.vector_store %arg7[%swap3A_74, %swap3A_75], %swap3A_78 {strides = array<i32>} : memref<128x128xf32, #tpu.memory_space<vmem>>, vector<1x16xf32>,
      %swap3A_79 = arith.index_cast %add3A_59 : i32 to index
      %swap3A_80 = arith.constant 16 : index
      %swap3A_81 = tpu.vector_load %arg7[%swap3A_79, %swap3A_80] {strides = array<i32>} : memref<128x128xf32, #tpu.memory_space<vmem>>, vector<1x16xf32>,
      %swap3A_82 = vector.shape_cast %swap3A_81 : vector<1x16xf32> to vector<16xf32>
      %swap3A_83 = vector.shape_cast %scan3A_72#1 : vector<16xf32> to vector<1x16xf32>
      tpu.vector_store %arg7[%swap3A_79, %swap3A_80], %swap3A_83 {strides = array<i32>} : memref<128x128xf32, #tpu.memory_space<vmem>>, vector<1x16xf32>,
      %swap3A_84 = arith.index_cast %add3A_59 : i32 to index
      %swap3A_85 = arith.constant 32 : index
      %swap3A_86 = tpu.vector_load %arg7[%swap3A_84, %swap3A_85] {strides = array<i32>} : memref<128x128xf32, #tpu.memory_space<vmem>>, vector<1x16xf32>,
      %swap3A_87 = vector.shape_cast %swap3A_86 : vector<1x16xf32> to vector<16xf32>
      %swap3A_88 = vector.shape_cast %scan3A_72#2 : vector<16xf32> to vector<1x16xf32>
      tpu.vector_store %arg7[%swap3A_84, %swap3A_85], %swap3A_88 {strides = array<i32>} : memref<128x128xf32, #tpu.memory_space<vmem>>, vector<1x16xf32>,
      %swap3A_89 = arith.index_cast %add3A_59 : i32 to index
      %swap3A_90 = arith.constant 48 : index
      %swap3A_91 = tpu.vector_load %arg7[%swap3A_89, %swap3A_90] {strides = array<i32>} : memref<128x128xf32, #tpu.memory_space<vmem>>, vector<1x16xf32>,
      %swap3A_92 = vector.shape_cast %swap3A_91 : vector<1x16xf32> to vector<16xf32>
      %swap3A_93 = vector.shape_cast %scan3A_72#3 : vector<16xf32> to vector<1x16xf32>
      tpu.vector_store %arg7[%swap3A_89, %swap3A_90], %swap3A_93 {strides = array<i32>} : memref<128x128xf32, #tpu.memory_space<vmem>>, vector<1x16xf32>,
      %mul3A_94 = arith.constant 4 : i32
      %mul3A_95 = arith.muli %scan3A_12, %mul3A_94 : i32
      %add3A_96 = arith.constant 2 : i32
      %add3A_97 = arith.addi %mul3A_95, %add3A_96 : i32
      %broadcast_in_dim3A_98 = arith.constant 0.000000e+00 : f32
      %broadcast_in_dim3A_99 = vector.broadcast %broadcast_in_dim3A_98 : f32 to vector<16xf32>
      %broadcast_in_dim3A_100 = arith.constant 0.000000e+00 : f32
      %broadcast_in_dim3A_101 = vector.broadcast %broadcast_in_dim3A_100 : f32 to vector<16xf32>
      %broadcast_in_dim3A_102 = arith.constant 0.000000e+00 : f32
      %broadcast_in_dim3A_103 = vector.broadcast %broadcast_in_dim3A_102 : f32 to vector<16xf32>
      %broadcast_in_dim3A_104 = arith.constant 0.000000e+00 : f32
      %broadcast_in_dim3A_105 = vector.broadcast %broadcast_in_dim3A_104 : f32 to vector<16xf32>
      %scan3A_106 = arith.constant 0 : i32
      %scan3A_107 = arith.constant 200 : i32
      %scan3A_108 = arith.addi %scan3A_106, %scan3A_107 : i32
      %scan3A_109 = arith.constant 1 : i32
      %scan3A_110:4 = scf.for %scan3A_170 = %scan3A_106 to %scan3A_108 step %scan3A_109 iter_args(%scan3A_171 = %broadcast_in_dim3A_99, %scan3A_172 = %broadcast_in_dim3A_101, %scan3A_173 = %broadcast_in_dim3A_103, %scan3A_174 = %broadcast_in_dim3A_105) -> (vector<16xf32>, vector<16xf32>, vector<16xf32>, vector<16xf32>)  : i32 {
        %add3A_175 = arith.constant 400 : i32
        %add3A_176 = arith.addi %add3A_175, %scan3A_170 : i32
        %get3A = arith.index_cast %add3A_176 : i32 to index
        %get3A_177 = arith.constant 0 : index
        %get3A_178 = tpu.vector_load %arg6[%get3A, %get3A_177] {strides = array<i32>} : memref<800x64xf32, #tpu.memory_space<vmem>>, vector<1x16xf32>,
        %get3A_179 = vector.shape_cast %get3A_178 : vector<1x16xf32> to vector<16xf32>
        %add3A_180 = arith.addf %scan3A_171, %get3A_179 : vector<16xf32>
        %add3A_181 = arith.constant 400 : i32
        %add3A_182 = arith.addi %add3A_181, %scan3A_170 : i32
        %get3A_183 = arith.index_cast %add3A_182 : i32 to index
        %get3A_184 = arith.constant 16 : index
        %get3A_185 = tpu.vector_load %arg6[%get3A_183, %get3A_184] {strides = array<i32>} : memref<800x64xf32, #tpu.memory_space<vmem>>, vector<1x16xf32>,
        %get3A_186 = vector.shape_cast %get3A_185 : vector<1x16xf32> to vector<16xf32>
        %add3A_187 = arith.addf %scan3A_172, %get3A_186 : vector<16xf32>
        %add3A_188 = arith.constant 400 : i32
        %add3A_189 = arith.addi %add3A_188, %scan3A_170 : i32
        %get3A_190 = arith.index_cast %add3A_189 : i32 to index
        %get3A_191 = arith.constant 32 : index
        %get3A_192 = tpu.vector_load %arg6[%get3A_190, %get3A_191] {strides = array<i32>} : memref<800x64xf32, #tpu.memory_space<vmem>>, vector<1x16xf32>,
        %get3A_193 = vector.shape_cast %get3A_192 : vector<1x16xf32> to vector<16xf32>
        %add3A_194 = arith.addf %scan3A_173, %get3A_193 : vector<16xf32>
        %add3A_195 = arith.constant 400 : i32
        %add3A_196 = arith.addi %add3A_195, %scan3A_170 : i32
        %get3A_197 = arith.index_cast %add3A_196 : i32 to index
        %get3A_198 = arith.constant 48 : index
        %get3A_199 = tpu.vector_load %arg6[%get3A_197, %get3A_198] {strides = array<i32>} : memref<800x64xf32, #tpu.memory_space<vmem>>, vector<1x16xf32>,
        %get3A_200 = vector.shape_cast %get3A_199 : vector<1x16xf32> to vector<16xf32>
        %add3A_201 = arith.addf %scan3A_174, %get3A_200 : vector<16xf32>
        scf.yield %add3A_180, %add3A_187, %add3A_194, %add3A_201 : vector<16xf32>, vector<16xf32>, vector<16xf32>, vector<16xf32>
      }
      %scan3A_111 = arith.constant 200 : i32
      %swap3A_112 = arith.index_cast %add3A_97 : i32 to index
      %swap3A_113 = arith.constant 0 : index
      %swap3A_114 = tpu.vector_load %arg7[%swap3A_112, %swap3A_113] {strides = array<i32>} : memref<128x128xf32, #tpu.memory_space<vmem>>, vector<1x16xf32>,
      %swap3A_115 = vector.shape_cast %swap3A_114 : vector<1x16xf32> to vector<16xf32>
      %swap3A_116 = vector.shape_cast %scan3A_110#0 : vector<16xf32> to vector<1x16xf32>
      tpu.vector_store %arg7[%swap3A_112, %swap3A_113], %swap3A_116 {strides = array<i32>} : memref<128x128xf32, #tpu.memory_space<vmem>>, vector<1x16xf32>,
      %swap3A_117 = arith.index_cast %add3A_97 : i32 to index
      %swap3A_118 = arith.constant 16 : index
      %swap3A_119 = tpu.vector_load %arg7[%swap3A_117, %swap3A_118] {strides = array<i32>} : memref<128x128xf32, #tpu.memory_space<vmem>>, vector<1x16xf32>,
      %swap3A_120 = vector.shape_cast %swap3A_119 : vector<1x16xf32> to vector<16xf32>
      %swap3A_121 = vector.shape_cast %scan3A_110#1 : vector<16xf32> to vector<1x16xf32>
      tpu.vector_store %arg7[%swap3A_117, %swap3A_118], %swap3A_121 {strides = array<i32>} : memref<128x128xf32, #tpu.memory_space<vmem>>, vector<1x16xf32>,
      %swap3A_122 = arith.index_cast %add3A_97 : i32 to index
      %swap3A_123 = arith.constant 32 : index
      %swap3A_124 = tpu.vector_load %arg7[%swap3A_122, %swap3A_123] {strides = array<i32>} : memref<128x128xf32, #tpu.memory_space<vmem>>, vector<1x16xf32>,
      %swap3A_125 = vector.shape_cast %swap3A_124 : vector<1x16xf32> to vector<16xf32>
      %swap3A_126 = vector.shape_cast %scan3A_110#2 : vector<16xf32> to vector<1x16xf32>
      tpu.vector_store %arg7[%swap3A_122, %swap3A_123], %swap3A_126 {strides = array<i32>} : memref<128x128xf32, #tpu.memory_space<vmem>>, vector<1x16xf32>,
      %swap3A_127 = arith.index_cast %add3A_97 : i32 to index
      %swap3A_128 = arith.constant 48 : index
      %swap3A_129 = tpu.vector_load %arg7[%swap3A_127, %swap3A_128] {strides = array<i32>} : memref<128x128xf32, #tpu.memory_space<vmem>>, vector<1x16xf32>,
      %swap3A_130 = vector.shape_cast %swap3A_129 : vector<1x16xf32> to vector<16xf32>
      %swap3A_131 = vector.shape_cast %scan3A_110#3 : vector<16xf32> to vector<1x16xf32>
      tpu.vector_store %arg7[%swap3A_127, %swap3A_128], %swap3A_131 {strides = array<i32>} : memref<128x128xf32, #tpu.memory_space<vmem>>, vector<1x16xf32>,
      %mul3A_132 = arith.constant 4 : i32
      %mul3A_133 = arith.muli %scan3A_12, %mul3A_132 : i32
      %add3A_134 = arith.constant 3 : i32
      %add3A_135 = arith.addi %mul3A_133, %add3A_134 : i32
      %broadcast_in_dim3A_136 = arith.constant 0.000000e+00 : f32
      %broadcast_in_dim3A_137 = vector.broadcast %broadcast_in_dim3A_136 : f32 to vector<16xf32>
      %broadcast_in_dim3A_138 = arith.constant 0.000000e+00 : f32
      %broadcast_in_dim3A_139 = vector.broadcast %broadcast_in_dim3A_138 : f32 to vector<16xf32>
      %broadcast_in_dim3A_140 = arith.constant 0.000000e+00 : f32
      %broadcast_in_dim3A_141 = vector.broadcast %broadcast_in_dim3A_140 : f32 to vector<16xf32>
      %broadcast_in_dim3A_142 = arith.constant 0.000000e+00 : f32
      %broadcast_in_dim3A_143 = vector.broadcast %broadcast_in_dim3A_142 : f32 to vector<16xf32>
      %scan3A_144 = arith.constant 0 : i32
      %scan3A_145 = arith.constant 200 : i32
      %scan3A_146 = arith.addi %scan3A_144, %scan3A_145 : i32
      %scan3A_147 = arith.constant 1 : i32
      %scan3A_148:4 = scf.for %scan3A_170 = %scan3A_144 to %scan3A_146 step %scan3A_147 iter_args(%scan3A_171 = %broadcast_in_dim3A_137, %scan3A_172 = %broadcast_in_dim3A_139, %scan3A_173 = %broadcast_in_dim3A_141, %scan3A_174 = %broadcast_in_dim3A_143) -> (vector<16xf32>, vector<16xf32>, vector<16xf32>, vector<16xf32>)  : i32 {
        %add3A_175 = arith.constant 600 : i32
        %add3A_176 = arith.addi %add3A_175, %scan3A_170 : i32
        %get3A = arith.index_cast %add3A_176 : i32 to index
        %get3A_177 = arith.constant 0 : index
        %get3A_178 = tpu.vector_load %arg6[%get3A, %get3A_177] {strides = array<i32>} : memref<800x64xf32, #tpu.memory_space<vmem>>, vector<1x16xf32>,
        %get3A_179 = vector.shape_cast %get3A_178 : vector<1x16xf32> to vector<16xf32>
        %add3A_180 = arith.addf %scan3A_171, %get3A_179 : vector<16xf32>
        %add3A_181 = arith.constant 600 : i32
        %add3A_182 = arith.addi %add3A_181, %scan3A_170 : i32
        %get3A_183 = arith.index_cast %add3A_182 : i32 to index
        %get3A_184 = arith.constant 16 : index
        %get3A_185 = tpu.vector_load %arg6[%get3A_183, %get3A_184] {strides = array<i32>} : memref<800x64xf32, #tpu.memory_space<vmem>>, vector<1x16xf32>,
        %get3A_186 = vector.shape_cast %get3A_185 : vector<1x16xf32> to vector<16xf32>
        %add3A_187 = arith.addf %scan3A_172, %get3A_186 : vector<16xf32>
        %add3A_188 = arith.constant 600 : i32
        %add3A_189 = arith.addi %add3A_188, %scan3A_170 : i32
        %get3A_190 = arith.index_cast %add3A_189 : i32 to index
        %get3A_191 = arith.constant 32 : index
        %get3A_192 = tpu.vector_load %arg6[%get3A_190, %get3A_191] {strides = array<i32>} : memref<800x64xf32, #tpu.memory_space<vmem>>, vector<1x16xf32>,
        %get3A_193 = vector.shape_cast %get3A_192 : vector<1x16xf32> to vector<16xf32>
        %add3A_194 = arith.addf %scan3A_173, %get3A_193 : vector<16xf32>
        %add3A_195 = arith.constant 600 : i32
        %add3A_196 = arith.addi %add3A_195, %scan3A_170 : i32
        %get3A_197 = arith.index_cast %add3A_196 : i32 to index
        %get3A_198 = arith.constant 48 : index
        %get3A_199 = tpu.vector_load %arg6[%get3A_197, %get3A_198] {strides = array<i32>} : memref<800x64xf32, #tpu.memory_space<vmem>>, vector<1x16xf32>,
        %get3A_200 = vector.shape_cast %get3A_199 : vector<1x16xf32> to vector<16xf32>
        %add3A_201 = arith.addf %scan3A_174, %get3A_200 : vector<16xf32>
        scf.yield %add3A_180, %add3A_187, %add3A_194, %add3A_201 : vector<16xf32>, vector<16xf32>, vector<16xf32>, vector<16xf32>
      }
      %scan3A_149 = arith.constant 200 : i32
      %swap3A_150 = arith.index_cast %add3A_135 : i32 to index
      %swap3A_151 = arith.constant 0 : index
      %swap3A_152 = tpu.vector_load %arg7[%swap3A_150, %swap3A_151] {strides = array<i32>} : memref<128x128xf32, #tpu.memory_space<vmem>>, vector<1x16xf32>,
      %swap3A_153 = vector.shape_cast %swap3A_152 : vector<1x16xf32> to vector<16xf32>
      %swap3A_154 = vector.shape_cast %scan3A_148#0 : vector<16xf32> to vector<1x16xf32>
      tpu.vector_store %arg7[%swap3A_150, %swap3A_151], %swap3A_154 {strides = array<i32>} : memref<128x128xf32, #tpu.memory_space<vmem>>, vector<1x16xf32>,
      %swap3A_155 = arith.index_cast %add3A_135 : i32 to index
      %swap3A_156 = arith.constant 16 : index
      %swap3A_157 = tpu.vector_load %arg7[%swap3A_155, %swap3A_156] {strides = array<i32>} : memref<128x128xf32, #tpu.memory_space<vmem>>, vector<1x16xf32>,
      %swap3A_158 = vector.shape_cast %swap3A_157 : vector<1x16xf32> to vector<16xf32>
      %swap3A_159 = vector.shape_cast %scan3A_148#1 : vector<16xf32> to vector<1x16xf32>
      tpu.vector_store %arg7[%swap3A_155, %swap3A_156], %swap3A_159 {strides = array<i32>} : memref<128x128xf32, #tpu.memory_space<vmem>>, vector<1x16xf32>,
      %swap3A_160 = arith.index_cast %add3A_135 : i32 to index
      %swap3A_161 = arith.constant 32 : index
      %swap3A_162 = tpu.vector_load %arg7[%swap3A_160, %swap3A_161] {strides = array<i32>} : memref<128x128xf32, #tpu.memory_space<vmem>>, vector<1x16xf32>,
      %swap3A_163 = vector.shape_cast %swap3A_162 : vector<1x16xf32> to vector<16xf32>
      %swap3A_164 = vector.shape_cast %scan3A_148#2 : vector<16xf32> to vector<1x16xf32>
      tpu.vector_store %arg7[%swap3A_160, %swap3A_161], %swap3A_164 {strides = array<i32>} : memref<128x128xf32, #tpu.memory_space<vmem>>, vector<1x16xf32>,
      %swap3A_165 = arith.index_cast %add3A_135 : i32 to index
      %swap3A_166 = arith.constant 48 : index
      %swap3A_167 = tpu.vector_load %arg7[%swap3A_165, %swap3A_166] {strides = array<i32>} : memref<128x128xf32, #tpu.memory_space<vmem>>, vector<1x16xf32>,
      %swap3A_168 = vector.shape_cast %swap3A_167 : vector<1x16xf32> to vector<16xf32>
      %swap3A_169 = vector.shape_cast %scan3A_148#3 : vector<16xf32> to vector<1x16xf32>
      tpu.vector_store %arg7[%swap3A_165, %swap3A_166], %swap3A_169 {strides = array<i32>} : memref<128x128xf32, #tpu.memory_space<vmem>>, vector<1x16xf32>,
    }
    %scan3A_9 = arith.constant 32 : i32
    %mul3A_10 = arith.constant 128 : i32
    %mul3A_11 = arith.muli %add3A, %mul3A_10 : i32
    "tpu.region"() ({
      %run_scoped3A = tpu.sem_alloc : memref<!tpu.dma_semaphore, #tpu.memory_space<semaphore_mem>>
      %dma_start3A = arith.constant 0 : i32
      %dma_start3A_12 = tpu.memref_slice %arg4[%mul3A_11, %dma_start3A] : memref<4096x128xf32, #tpu.memory_space<hbm>> -> memref<128x128xf32, #tpu.memory_space<hbm>>
      %dma_start3A_13 = arith.constant 0 : i32
      %dma_start3A_14 = tpu.memref_slice %arg4[%mul3A_11, %dma_start3A_13] : memref<4096x128xf32, #tpu.memory_space<hbm>> -> memref<128x128xf32, #tpu.memory_space<hbm>>
      tpu.enqueue_dma source(%arg7 : memref<128x128xf32, #tpu.memory_space<vmem>>) target(%dma_start3A_14 : memref<128x128xf32, #tpu.memory_space<hbm>>) target_semaphore(%run_scoped3A : memref<!tpu.dma_semaphore, #tpu.memory_space<semaphore_mem>>)
      %dma_wait3A = arith.constant 0 : i32
      %dma_wait3A_15 = tpu.memref_slice %arg4[%mul3A_11, %dma_wait3A] : memref<4096x128xf32, #tpu.memory_space<hbm>> -> memref<128x128xf32, #tpu.memory_space<hbm>>
      %dma_wait3A_16 = arith.constant 0 : i32
      %dma_wait3A_17 = tpu.memref_slice %arg4[%mul3A_11, %dma_wait3A_16] : memref<4096x128xf32, #tpu.memory_space<hbm>> -> memref<128x128xf32, #tpu.memory_space<hbm>>
      tpu.wait_dma2 semaphore(%run_scoped3A : memref<!tpu.dma_semaphore, #tpu.memory_space<semaphore_mem>>) src(%arg7 : memref<128x128xf32, #tpu.memory_space<vmem>>) dst(%dma_wait3A_17 : memref<128x128xf32, #tpu.memory_space<hbm>>)
      tpu.yield
    }) : () -> ()
    return
  }
}

#map = affine_map<(d0, d1) -> (0)>
#map1 = affine_map<(d0, d1) -> (0, 0)>
module attributes {stable_mosaic.version = 14 : i64} {
  func.func @body(%arg0: i32, %arg1: i32, %arg2: memref<81920xi32, #tpu.memory_space<hbm>>, %arg3: memref<1000000x64xf32, #tpu.memory_space<hbm>>, %arg4: memref<4096x128xf32, #tpu.memory_space<hbm>>, %arg5: memref<320xi32, #tpu.memory_space<vmem>>, %arg6: memref<320x64xf32, #tpu.memory_space<vmem>>, %arg7: memref<128x128xf32, #tpu.memory_space<vmem>>, %arg8: memref<!tpu.dma_semaphore, #tpu.memory_space<semaphore_mem>>) attributes {dimension_semantics = [#tpu.dimension_semantics<core_parallel>, #tpu.dimension_semantics<subcore_parallel>], iteration_bounds = array<i64: 2, 16>, scalar_prefetch = 0 : i64, scratch_operands = 4 : i64, tpu.core_type = #tpu.core_type<sc_vector_subcore>, window_params = [{transform_indices = #map}, {transform_indices = #map1}, {transform_indices = #map1}]} {
    %mul3A = arith.constant 2 : i32
    %mul3A_0 = arith.muli %arg1, %mul3A : i32
    %add3A = arith.addi %mul3A_0, %arg0 : i32
    %mul3A_1 = arith.constant 128 : i32
    %mul3A_2 = arith.muli %add3A, %mul3A_1 : i32
    %mul3A_3 = arith.constant 20 : i32
    %mul3A_4 = arith.muli %mul3A_2, %mul3A_3 : i32
    %scan3A = arith.constant 0 : i32
    %scan3A_5 = arith.constant 0 : i32
    %scan3A_6 = arith.constant 8 : i32
    %scan3A_7 = arith.addi %scan3A_5, %scan3A_6 : i32
    %scan3A_8 = arith.constant 1 : i32
    scf.for %scan3A_12 = %scan3A_5 to %scan3A_7 step %scan3A_8  : i32 {
      %mul3A_13 = arith.constant 320 : i32
      %mul3A_14 = arith.muli %scan3A_12, %mul3A_13 : i32
      %add3A_15 = arith.addi %mul3A_4, %mul3A_14 : i32
      "tpu.region"() ({
        %run_scoped3A = tpu.sem_alloc : memref<!tpu.dma_semaphore, #tpu.memory_space<semaphore_mem>>
        %dma_start3A_626 = tpu.memref_slice %arg2[%add3A_15] : memref<81920xi32, #tpu.memory_space<hbm>> -> memref<320xi32, #tpu.memory_space<hbm>>
        %dma_start3A_627 = tpu.memref_slice %arg2[%add3A_15] : memref<81920xi32, #tpu.memory_space<hbm>> -> memref<320xi32, #tpu.memory_space<hbm>>
        tpu.enqueue_dma source(%dma_start3A_627 : memref<320xi32, #tpu.memory_space<hbm>>) target(%arg5 : memref<320xi32, #tpu.memory_space<vmem>>) target_semaphore(%run_scoped3A : memref<!tpu.dma_semaphore, #tpu.memory_space<semaphore_mem>>)
        %dma_wait3A_628 = tpu.memref_slice %arg2[%add3A_15] : memref<81920xi32, #tpu.memory_space<hbm>> -> memref<320xi32, #tpu.memory_space<hbm>>
        %dma_wait3A_629 = tpu.memref_slice %arg2[%add3A_15] : memref<81920xi32, #tpu.memory_space<hbm>> -> memref<320xi32, #tpu.memory_space<hbm>>
        tpu.wait_dma2 semaphore(%run_scoped3A : memref<!tpu.dma_semaphore, #tpu.memory_space<semaphore_mem>>) src(%dma_wait3A_629 : memref<320xi32, #tpu.memory_space<hbm>>) dst(%arg5 : memref<320xi32, #tpu.memory_space<vmem>>)
        tpu.yield
      }) : () -> ()
      %dma_start3A = arith.constant 0 : i32
      %dma_start3A_16 = arith.constant 0 : i32
      %dma_start3A_17 = tpu.memref_slice %arg3[%dma_start3A, %dma_start3A_16] : memref<1000000x64xf32, #tpu.memory_space<hbm>> -> memref<1000000x64xf32, #tpu.memory_space<hbm>>
      tpu.enqueue_indirect_dma source(%dma_start3A_17 : memref<1000000x64xf32, #tpu.memory_space<hbm>>) target(%arg6 : memref<320x64xf32, #tpu.memory_space<vmem>>) offsets(%arg5 : memref<320xi32, #tpu.memory_space<vmem>>) semaphore(%arg8 : memref<!tpu.dma_semaphore, #tpu.memory_space<semaphore_mem>>)
      %dma_wait3A = arith.constant 0 : i32
      %dma_wait3A_18 = arith.constant 0 : i32
      %dma_wait3A_19 = tpu.memref_slice %arg3[%dma_wait3A, %dma_wait3A_18] : memref<1000000x64xf32, #tpu.memory_space<hbm>> -> memref<1000000x64xf32, #tpu.memory_space<hbm>>
      tpu.wait_indirect_dma semaphore(%arg8 : memref<!tpu.dma_semaphore, #tpu.memory_space<semaphore_mem>>) src(%dma_wait3A_19 : memref<1000000x64xf32, #tpu.memory_space<hbm>>) dst(%arg6 : memref<320x64xf32, #tpu.memory_space<vmem>>)
      %mul3A_20 = arith.constant 16 : i32
      %mul3A_21 = arith.muli %scan3A_12, %mul3A_20 : i32
      %add3A_22 = arith.constant 0 : i32
      %add3A_23 = arith.addi %mul3A_21, %add3A_22 : i32
      %broadcast_in_dim3A = arith.constant 0.000000e+00 : f32
      %broadcast_in_dim3A_24 = vector.broadcast %broadcast_in_dim3A : f32 to vector<16xf32>
      %broadcast_in_dim3A_25 = arith.constant 0.000000e+00 : f32
      %broadcast_in_dim3A_26 = vector.broadcast %broadcast_in_dim3A_25 : f32 to vector<16xf32>
      %broadcast_in_dim3A_27 = arith.constant 0.000000e+00 : f32
      %broadcast_in_dim3A_28 = vector.broadcast %broadcast_in_dim3A_27 : f32 to vector<16xf32>
      %broadcast_in_dim3A_29 = arith.constant 0.000000e+00 : f32
      %broadcast_in_dim3A_30 = vector.broadcast %broadcast_in_dim3A_29 : f32 to vector<16xf32>
      %scan3A_31 = arith.constant 0 : i32
      %scan3A_32 = arith.constant 20 : i32
      %scan3A_33 = arith.addi %scan3A_31, %scan3A_32 : i32
      %scan3A_34 = arith.constant 1 : i32
      %scan3A_35:4 = scf.for %scan3A_626 = %scan3A_31 to %scan3A_33 step %scan3A_34 iter_args(%scan3A_627 = %broadcast_in_dim3A_24, %scan3A_628 = %broadcast_in_dim3A_26, %scan3A_629 = %broadcast_in_dim3A_28, %scan3A_630 = %broadcast_in_dim3A_30) -> (vector<16xf32>, vector<16xf32>, vector<16xf32>, vector<16xf32>)  : i32 {
        %add3A_631 = arith.constant 0 : i32
        %add3A_632 = arith.addi %add3A_631, %scan3A_626 : i32
        %get3A = arith.index_cast %add3A_632 : i32 to index
        %get3A_633 = arith.constant 0 : index
        %get3A_634 = tpu.vector_load %arg6[%get3A, %get3A_633] {strides = array<i32>} : memref<320x64xf32, #tpu.memory_space<vmem>>, vector<1x16xf32>,
        %get3A_635 = vector.shape_cast %get3A_634 : vector<1x16xf32> to vector<16xf32>
        %add3A_636 = arith.addf %scan3A_627, %get3A_635 : vector<16xf32>
        %add3A_637 = arith.constant 0 : i32
        %add3A_638 = arith.addi %add3A_637, %scan3A_626 : i32
        %get3A_639 = arith.index_cast %add3A_638 : i32 to index
        %get3A_640 = arith.constant 16 : index
        %get3A_641 = tpu.vector_load %arg6[%get3A_639, %get3A_640] {strides = array<i32>} : memref<320x64xf32, #tpu.memory_space<vmem>>, vector<1x16xf32>,
        %get3A_642 = vector.shape_cast %get3A_641 : vector<1x16xf32> to vector<16xf32>
        %add3A_643 = arith.addf %scan3A_628, %get3A_642 : vector<16xf32>
        %add3A_644 = arith.constant 0 : i32
        %add3A_645 = arith.addi %add3A_644, %scan3A_626 : i32
        %get3A_646 = arith.index_cast %add3A_645 : i32 to index
        %get3A_647 = arith.constant 32 : index
        %get3A_648 = tpu.vector_load %arg6[%get3A_646, %get3A_647] {strides = array<i32>} : memref<320x64xf32, #tpu.memory_space<vmem>>, vector<1x16xf32>,
        %get3A_649 = vector.shape_cast %get3A_648 : vector<1x16xf32> to vector<16xf32>
        %add3A_650 = arith.addf %scan3A_629, %get3A_649 : vector<16xf32>
        %add3A_651 = arith.constant 0 : i32
        %add3A_652 = arith.addi %add3A_651, %scan3A_626 : i32
        %get3A_653 = arith.index_cast %add3A_652 : i32 to index
        %get3A_654 = arith.constant 48 : index
        %get3A_655 = tpu.vector_load %arg6[%get3A_653, %get3A_654] {strides = array<i32>} : memref<320x64xf32, #tpu.memory_space<vmem>>, vector<1x16xf32>,
        %get3A_656 = vector.shape_cast %get3A_655 : vector<1x16xf32> to vector<16xf32>
        %add3A_657 = arith.addf %scan3A_630, %get3A_656 : vector<16xf32>
        scf.yield %add3A_636, %add3A_643, %add3A_650, %add3A_657 : vector<16xf32>, vector<16xf32>, vector<16xf32>, vector<16xf32>
      }
      %scan3A_36 = arith.constant 20 : i32
      %swap3A = arith.index_cast %add3A_23 : i32 to index
      %swap3A_37 = arith.constant 0 : index
      %swap3A_38 = tpu.vector_load %arg7[%swap3A, %swap3A_37] {strides = array<i32>} : memref<128x128xf32, #tpu.memory_space<vmem>>, vector<1x16xf32>,
      %swap3A_39 = vector.shape_cast %swap3A_38 : vector<1x16xf32> to vector<16xf32>
      %swap3A_40 = vector.shape_cast %scan3A_35#0 : vector<16xf32> to vector<1x16xf32>
      tpu.vector_store %arg7[%swap3A, %swap3A_37], %swap3A_40 {strides = array<i32>} : memref<128x128xf32, #tpu.memory_space<vmem>>, vector<1x16xf32>,
      %swap3A_41 = arith.index_cast %add3A_23 : i32 to index
      %swap3A_42 = arith.constant 16 : index
      %swap3A_43 = tpu.vector_load %arg7[%swap3A_41, %swap3A_42] {strides = array<i32>} : memref<128x128xf32, #tpu.memory_space<vmem>>, vector<1x16xf32>,
      %swap3A_44 = vector.shape_cast %swap3A_43 : vector<1x16xf32> to vector<16xf32>
      %swap3A_45 = vector.shape_cast %scan3A_35#1 : vector<16xf32> to vector<1x16xf32>
      tpu.vector_store %arg7[%swap3A_41, %swap3A_42], %swap3A_45 {strides = array<i32>} : memref<128x128xf32, #tpu.memory_space<vmem>>, vector<1x16xf32>,
      %swap3A_46 = arith.index_cast %add3A_23 : i32 to index
      %swap3A_47 = arith.constant 32 : index
      %swap3A_48 = tpu.vector_load %arg7[%swap3A_46, %swap3A_47] {strides = array<i32>} : memref<128x128xf32, #tpu.memory_space<vmem>>, vector<1x16xf32>,
      %swap3A_49 = vector.shape_cast %swap3A_48 : vector<1x16xf32> to vector<16xf32>
      %swap3A_50 = vector.shape_cast %scan3A_35#2 : vector<16xf32> to vector<1x16xf32>
      tpu.vector_store %arg7[%swap3A_46, %swap3A_47], %swap3A_50 {strides = array<i32>} : memref<128x128xf32, #tpu.memory_space<vmem>>, vector<1x16xf32>,
      %swap3A_51 = arith.index_cast %add3A_23 : i32 to index
      %swap3A_52 = arith.constant 48 : index
      %swap3A_53 = tpu.vector_load %arg7[%swap3A_51, %swap3A_52] {strides = array<i32>} : memref<128x128xf32, #tpu.memory_space<vmem>>, vector<1x16xf32>,
      %swap3A_54 = vector.shape_cast %swap3A_53 : vector<1x16xf32> to vector<16xf32>
      %swap3A_55 = vector.shape_cast %scan3A_35#3 : vector<16xf32> to vector<1x16xf32>
      tpu.vector_store %arg7[%swap3A_51, %swap3A_52], %swap3A_55 {strides = array<i32>} : memref<128x128xf32, #tpu.memory_space<vmem>>, vector<1x16xf32>,
      %mul3A_56 = arith.constant 16 : i32
      %mul3A_57 = arith.muli %scan3A_12, %mul3A_56 : i32
      %add3A_58 = arith.constant 1 : i32
      %add3A_59 = arith.addi %mul3A_57, %add3A_58 : i32
      %broadcast_in_dim3A_60 = arith.constant 0.000000e+00 : f32
      %broadcast_in_dim3A_61 = vector.broadcast %broadcast_in_dim3A_60 : f32 to vector<16xf32>
      %broadcast_in_dim3A_62 = arith.constant 0.000000e+00 : f32
      %broadcast_in_dim3A_63 = vector.broadcast %broadcast_in_dim3A_62 : f32 to vector<16xf32>
      %broadcast_in_dim3A_64 = arith.constant 0.000000e+00 : f32
      %broadcast_in_dim3A_65 = vector.broadcast %broadcast_in_dim3A_64 : f32 to vector<16xf32>
      %broadcast_in_dim3A_66 = arith.constant 0.000000e+00 : f32
      %broadcast_in_dim3A_67 = vector.broadcast %broadcast_in_dim3A_66 : f32 to vector<16xf32>
      %scan3A_68 = arith.constant 0 : i32
      %scan3A_69 = arith.constant 20 : i32
      %scan3A_70 = arith.addi %scan3A_68, %scan3A_69 : i32
      %scan3A_71 = arith.constant 1 : i32
      %scan3A_72:4 = scf.for %scan3A_626 = %scan3A_68 to %scan3A_70 step %scan3A_71 iter_args(%scan3A_627 = %broadcast_in_dim3A_61, %scan3A_628 = %broadcast_in_dim3A_63, %scan3A_629 = %broadcast_in_dim3A_65, %scan3A_630 = %broadcast_in_dim3A_67) -> (vector<16xf32>, vector<16xf32>, vector<16xf32>, vector<16xf32>)  : i32 {
        %add3A_631 = arith.constant 20 : i32
        %add3A_632 = arith.addi %add3A_631, %scan3A_626 : i32
        %get3A = arith.index_cast %add3A_632 : i32 to index
        %get3A_633 = arith.constant 0 : index
        %get3A_634 = tpu.vector_load %arg6[%get3A, %get3A_633] {strides = array<i32>} : memref<320x64xf32, #tpu.memory_space<vmem>>, vector<1x16xf32>,
        %get3A_635 = vector.shape_cast %get3A_634 : vector<1x16xf32> to vector<16xf32>
        %add3A_636 = arith.addf %scan3A_627, %get3A_635 : vector<16xf32>
        %add3A_637 = arith.constant 20 : i32
        %add3A_638 = arith.addi %add3A_637, %scan3A_626 : i32
        %get3A_639 = arith.index_cast %add3A_638 : i32 to index
        %get3A_640 = arith.constant 16 : index
        %get3A_641 = tpu.vector_load %arg6[%get3A_639, %get3A_640] {strides = array<i32>} : memref<320x64xf32, #tpu.memory_space<vmem>>, vector<1x16xf32>,
        %get3A_642 = vector.shape_cast %get3A_641 : vector<1x16xf32> to vector<16xf32>
        %add3A_643 = arith.addf %scan3A_628, %get3A_642 : vector<16xf32>
        %add3A_644 = arith.constant 20 : i32
        %add3A_645 = arith.addi %add3A_644, %scan3A_626 : i32
        %get3A_646 = arith.index_cast %add3A_645 : i32 to index
        %get3A_647 = arith.constant 32 : index
        %get3A_648 = tpu.vector_load %arg6[%get3A_646, %get3A_647] {strides = array<i32>} : memref<320x64xf32, #tpu.memory_space<vmem>>, vector<1x16xf32>,
        %get3A_649 = vector.shape_cast %get3A_648 : vector<1x16xf32> to vector<16xf32>
        %add3A_650 = arith.addf %scan3A_629, %get3A_649 : vector<16xf32>
        %add3A_651 = arith.constant 20 : i32
        %add3A_652 = arith.addi %add3A_651, %scan3A_626 : i32
        %get3A_653 = arith.index_cast %add3A_652 : i32 to index
        %get3A_654 = arith.constant 48 : index
        %get3A_655 = tpu.vector_load %arg6[%get3A_653, %get3A_654] {strides = array<i32>} : memref<320x64xf32, #tpu.memory_space<vmem>>, vector<1x16xf32>,
        %get3A_656 = vector.shape_cast %get3A_655 : vector<1x16xf32> to vector<16xf32>
        %add3A_657 = arith.addf %scan3A_630, %get3A_656 : vector<16xf32>
        scf.yield %add3A_636, %add3A_643, %add3A_650, %add3A_657 : vector<16xf32>, vector<16xf32>, vector<16xf32>, vector<16xf32>
      }
      %scan3A_73 = arith.constant 20 : i32
      %swap3A_74 = arith.index_cast %add3A_59 : i32 to index
      %swap3A_75 = arith.constant 0 : index
      %swap3A_76 = tpu.vector_load %arg7[%swap3A_74, %swap3A_75] {strides = array<i32>} : memref<128x128xf32, #tpu.memory_space<vmem>>, vector<1x16xf32>,
      %swap3A_77 = vector.shape_cast %swap3A_76 : vector<1x16xf32> to vector<16xf32>
      %swap3A_78 = vector.shape_cast %scan3A_72#0 : vector<16xf32> to vector<1x16xf32>
      tpu.vector_store %arg7[%swap3A_74, %swap3A_75], %swap3A_78 {strides = array<i32>} : memref<128x128xf32, #tpu.memory_space<vmem>>, vector<1x16xf32>,
      %swap3A_79 = arith.index_cast %add3A_59 : i32 to index
      %swap3A_80 = arith.constant 16 : index
      %swap3A_81 = tpu.vector_load %arg7[%swap3A_79, %swap3A_80] {strides = array<i32>} : memref<128x128xf32, #tpu.memory_space<vmem>>, vector<1x16xf32>,
      %swap3A_82 = vector.shape_cast %swap3A_81 : vector<1x16xf32> to vector<16xf32>
      %swap3A_83 = vector.shape_cast %scan3A_72#1 : vector<16xf32> to vector<1x16xf32>
      tpu.vector_store %arg7[%swap3A_79, %swap3A_80], %swap3A_83 {strides = array<i32>} : memref<128x128xf32, #tpu.memory_space<vmem>>, vector<1x16xf32>,
      %swap3A_84 = arith.index_cast %add3A_59 : i32 to index
      %swap3A_85 = arith.constant 32 : index
      %swap3A_86 = tpu.vector_load %arg7[%swap3A_84, %swap3A_85] {strides = array<i32>} : memref<128x128xf32, #tpu.memory_space<vmem>>, vector<1x16xf32>,
      %swap3A_87 = vector.shape_cast %swap3A_86 : vector<1x16xf32> to vector<16xf32>
      %swap3A_88 = vector.shape_cast %scan3A_72#2 : vector<16xf32> to vector<1x16xf32>
      tpu.vector_store %arg7[%swap3A_84, %swap3A_85], %swap3A_88 {strides = array<i32>} : memref<128x128xf32, #tpu.memory_space<vmem>>, vector<1x16xf32>,
      %swap3A_89 = arith.index_cast %add3A_59 : i32 to index
      %swap3A_90 = arith.constant 48 : index
      %swap3A_91 = tpu.vector_load %arg7[%swap3A_89, %swap3A_90] {strides = array<i32>} : memref<128x128xf32, #tpu.memory_space<vmem>>, vector<1x16xf32>,
      %swap3A_92 = vector.shape_cast %swap3A_91 : vector<1x16xf32> to vector<16xf32>
      %swap3A_93 = vector.shape_cast %scan3A_72#3 : vector<16xf32> to vector<1x16xf32>
      tpu.vector_store %arg7[%swap3A_89, %swap3A_90], %swap3A_93 {strides = array<i32>} : memref<128x128xf32, #tpu.memory_space<vmem>>, vector<1x16xf32>,
      %mul3A_94 = arith.constant 16 : i32
      %mul3A_95 = arith.muli %scan3A_12, %mul3A_94 : i32
      %add3A_96 = arith.constant 2 : i32
      %add3A_97 = arith.addi %mul3A_95, %add3A_96 : i32
      %broadcast_in_dim3A_98 = arith.constant 0.000000e+00 : f32
      %broadcast_in_dim3A_99 = vector.broadcast %broadcast_in_dim3A_98 : f32 to vector<16xf32>
      %broadcast_in_dim3A_100 = arith.constant 0.000000e+00 : f32
      %broadcast_in_dim3A_101 = vector.broadcast %broadcast_in_dim3A_100 : f32 to vector<16xf32>
      %broadcast_in_dim3A_102 = arith.constant 0.000000e+00 : f32
      %broadcast_in_dim3A_103 = vector.broadcast %broadcast_in_dim3A_102 : f32 to vector<16xf32>
      %broadcast_in_dim3A_104 = arith.constant 0.000000e+00 : f32
      %broadcast_in_dim3A_105 = vector.broadcast %broadcast_in_dim3A_104 : f32 to vector<16xf32>
      %scan3A_106 = arith.constant 0 : i32
      %scan3A_107 = arith.constant 20 : i32
      %scan3A_108 = arith.addi %scan3A_106, %scan3A_107 : i32
      %scan3A_109 = arith.constant 1 : i32
      %scan3A_110:4 = scf.for %scan3A_626 = %scan3A_106 to %scan3A_108 step %scan3A_109 iter_args(%scan3A_627 = %broadcast_in_dim3A_99, %scan3A_628 = %broadcast_in_dim3A_101, %scan3A_629 = %broadcast_in_dim3A_103, %scan3A_630 = %broadcast_in_dim3A_105) -> (vector<16xf32>, vector<16xf32>, vector<16xf32>, vector<16xf32>)  : i32 {
        %add3A_631 = arith.constant 40 : i32
        %add3A_632 = arith.addi %add3A_631, %scan3A_626 : i32
        %get3A = arith.index_cast %add3A_632 : i32 to index
        %get3A_633 = arith.constant 0 : index
        %get3A_634 = tpu.vector_load %arg6[%get3A, %get3A_633] {strides = array<i32>} : memref<320x64xf32, #tpu.memory_space<vmem>>, vector<1x16xf32>,
        %get3A_635 = vector.shape_cast %get3A_634 : vector<1x16xf32> to vector<16xf32>
        %add3A_636 = arith.addf %scan3A_627, %get3A_635 : vector<16xf32>
        %add3A_637 = arith.constant 40 : i32
        %add3A_638 = arith.addi %add3A_637, %scan3A_626 : i32
        %get3A_639 = arith.index_cast %add3A_638 : i32 to index
        %get3A_640 = arith.constant 16 : index
        %get3A_641 = tpu.vector_load %arg6[%get3A_639, %get3A_640] {strides = array<i32>} : memref<320x64xf32, #tpu.memory_space<vmem>>, vector<1x16xf32>,
        %get3A_642 = vector.shape_cast %get3A_641 : vector<1x16xf32> to vector<16xf32>
        %add3A_643 = arith.addf %scan3A_628, %get3A_642 : vector<16xf32>
        %add3A_644 = arith.constant 40 : i32
        %add3A_645 = arith.addi %add3A_644, %scan3A_626 : i32
        %get3A_646 = arith.index_cast %add3A_645 : i32 to index
        %get3A_647 = arith.constant 32 : index
        %get3A_648 = tpu.vector_load %arg6[%get3A_646, %get3A_647] {strides = array<i32>} : memref<320x64xf32, #tpu.memory_space<vmem>>, vector<1x16xf32>,
        %get3A_649 = vector.shape_cast %get3A_648 : vector<1x16xf32> to vector<16xf32>
        %add3A_650 = arith.addf %scan3A_629, %get3A_649 : vector<16xf32>
        %add3A_651 = arith.constant 40 : i32
        %add3A_652 = arith.addi %add3A_651, %scan3A_626 : i32
        %get3A_653 = arith.index_cast %add3A_652 : i32 to index
        %get3A_654 = arith.constant 48 : index
        %get3A_655 = tpu.vector_load %arg6[%get3A_653, %get3A_654] {strides = array<i32>} : memref<320x64xf32, #tpu.memory_space<vmem>>, vector<1x16xf32>,
        %get3A_656 = vector.shape_cast %get3A_655 : vector<1x16xf32> to vector<16xf32>
        %add3A_657 = arith.addf %scan3A_630, %get3A_656 : vector<16xf32>
        scf.yield %add3A_636, %add3A_643, %add3A_650, %add3A_657 : vector<16xf32>, vector<16xf32>, vector<16xf32>, vector<16xf32>
      }
      %scan3A_111 = arith.constant 20 : i32
      %swap3A_112 = arith.index_cast %add3A_97 : i32 to index
      %swap3A_113 = arith.constant 0 : index
      %swap3A_114 = tpu.vector_load %arg7[%swap3A_112, %swap3A_113] {strides = array<i32>} : memref<128x128xf32, #tpu.memory_space<vmem>>, vector<1x16xf32>,
      %swap3A_115 = vector.shape_cast %swap3A_114 : vector<1x16xf32> to vector<16xf32>
      %swap3A_116 = vector.shape_cast %scan3A_110#0 : vector<16xf32> to vector<1x16xf32>
      tpu.vector_store %arg7[%swap3A_112, %swap3A_113], %swap3A_116 {strides = array<i32>} : memref<128x128xf32, #tpu.memory_space<vmem>>, vector<1x16xf32>,
      %swap3A_117 = arith.index_cast %add3A_97 : i32 to index
      %swap3A_118 = arith.constant 16 : index
      %swap3A_119 = tpu.vector_load %arg7[%swap3A_117, %swap3A_118] {strides = array<i32>} : memref<128x128xf32, #tpu.memory_space<vmem>>, vector<1x16xf32>,
      %swap3A_120 = vector.shape_cast %swap3A_119 : vector<1x16xf32> to vector<16xf32>
      %swap3A_121 = vector.shape_cast %scan3A_110#1 : vector<16xf32> to vector<1x16xf32>
      tpu.vector_store %arg7[%swap3A_117, %swap3A_118], %swap3A_121 {strides = array<i32>} : memref<128x128xf32, #tpu.memory_space<vmem>>, vector<1x16xf32>,
      %swap3A_122 = arith.index_cast %add3A_97 : i32 to index
      %swap3A_123 = arith.constant 32 : index
      %swap3A_124 = tpu.vector_load %arg7[%swap3A_122, %swap3A_123] {strides = array<i32>} : memref<128x128xf32, #tpu.memory_space<vmem>>, vector<1x16xf32>,
      %swap3A_125 = vector.shape_cast %swap3A_124 : vector<1x16xf32> to vector<16xf32>
      %swap3A_126 = vector.shape_cast %scan3A_110#2 : vector<16xf32> to vector<1x16xf32>
      tpu.vector_store %arg7[%swap3A_122, %swap3A_123], %swap3A_126 {strides = array<i32>} : memref<128x128xf32, #tpu.memory_space<vmem>>, vector<1x16xf32>,
      %swap3A_127 = arith.index_cast %add3A_97 : i32 to index
      %swap3A_128 = arith.constant 48 : index
      %swap3A_129 = tpu.vector_load %arg7[%swap3A_127, %swap3A_128] {strides = array<i32>} : memref<128x128xf32, #tpu.memory_space<vmem>>, vector<1x16xf32>,
      %swap3A_130 = vector.shape_cast %swap3A_129 : vector<1x16xf32> to vector<16xf32>
      %swap3A_131 = vector.shape_cast %scan3A_110#3 : vector<16xf32> to vector<1x16xf32>
      tpu.vector_store %arg7[%swap3A_127, %swap3A_128], %swap3A_131 {strides = array<i32>} : memref<128x128xf32, #tpu.memory_space<vmem>>, vector<1x16xf32>,
      %mul3A_132 = arith.constant 16 : i32
      %mul3A_133 = arith.muli %scan3A_12, %mul3A_132 : i32
      %add3A_134 = arith.constant 3 : i32
      %add3A_135 = arith.addi %mul3A_133, %add3A_134 : i32
      %broadcast_in_dim3A_136 = arith.constant 0.000000e+00 : f32
      %broadcast_in_dim3A_137 = vector.broadcast %broadcast_in_dim3A_136 : f32 to vector<16xf32>
      %broadcast_in_dim3A_138 = arith.constant 0.000000e+00 : f32
      %broadcast_in_dim3A_139 = vector.broadcast %broadcast_in_dim3A_138 : f32 to vector<16xf32>
      %broadcast_in_dim3A_140 = arith.constant 0.000000e+00 : f32
      %broadcast_in_dim3A_141 = vector.broadcast %broadcast_in_dim3A_140 : f32 to vector<16xf32>
      %broadcast_in_dim3A_142 = arith.constant 0.000000e+00 : f32
      %broadcast_in_dim3A_143 = vector.broadcast %broadcast_in_dim3A_142 : f32 to vector<16xf32>
      %scan3A_144 = arith.constant 0 : i32
      %scan3A_145 = arith.constant 20 : i32
      %scan3A_146 = arith.addi %scan3A_144, %scan3A_145 : i32
      %scan3A_147 = arith.constant 1 : i32
      %scan3A_148:4 = scf.for %scan3A_626 = %scan3A_144 to %scan3A_146 step %scan3A_147 iter_args(%scan3A_627 = %broadcast_in_dim3A_137, %scan3A_628 = %broadcast_in_dim3A_139, %scan3A_629 = %broadcast_in_dim3A_141, %scan3A_630 = %broadcast_in_dim3A_143) -> (vector<16xf32>, vector<16xf32>, vector<16xf32>, vector<16xf32>)  : i32 {
        %add3A_631 = arith.constant 60 : i32
        %add3A_632 = arith.addi %add3A_631, %scan3A_626 : i32
        %get3A = arith.index_cast %add3A_632 : i32 to index
        %get3A_633 = arith.constant 0 : index
        %get3A_634 = tpu.vector_load %arg6[%get3A, %get3A_633] {strides = array<i32>} : memref<320x64xf32, #tpu.memory_space<vmem>>, vector<1x16xf32>,
        %get3A_635 = vector.shape_cast %get3A_634 : vector<1x16xf32> to vector<16xf32>
        %add3A_636 = arith.addf %scan3A_627, %get3A_635 : vector<16xf32>
        %add3A_637 = arith.constant 60 : i32
        %add3A_638 = arith.addi %add3A_637, %scan3A_626 : i32
        %get3A_639 = arith.index_cast %add3A_638 : i32 to index
        %get3A_640 = arith.constant 16 : index
        %get3A_641 = tpu.vector_load %arg6[%get3A_639, %get3A_640] {strides = array<i32>} : memref<320x64xf32, #tpu.memory_space<vmem>>, vector<1x16xf32>,
        %get3A_642 = vector.shape_cast %get3A_641 : vector<1x16xf32> to vector<16xf32>
        %add3A_643 = arith.addf %scan3A_628, %get3A_642 : vector<16xf32>
        %add3A_644 = arith.constant 60 : i32
        %add3A_645 = arith.addi %add3A_644, %scan3A_626 : i32
        %get3A_646 = arith.index_cast %add3A_645 : i32 to index
        %get3A_647 = arith.constant 32 : index
        %get3A_648 = tpu.vector_load %arg6[%get3A_646, %get3A_647] {strides = array<i32>} : memref<320x64xf32, #tpu.memory_space<vmem>>, vector<1x16xf32>,
        %get3A_649 = vector.shape_cast %get3A_648 : vector<1x16xf32> to vector<16xf32>
        %add3A_650 = arith.addf %scan3A_629, %get3A_649 : vector<16xf32>
        %add3A_651 = arith.constant 60 : i32
        %add3A_652 = arith.addi %add3A_651, %scan3A_626 : i32
        %get3A_653 = arith.index_cast %add3A_652 : i32 to index
        %get3A_654 = arith.constant 48 : index
        %get3A_655 = tpu.vector_load %arg6[%get3A_653, %get3A_654] {strides = array<i32>} : memref<320x64xf32, #tpu.memory_space<vmem>>, vector<1x16xf32>,
        %get3A_656 = vector.shape_cast %get3A_655 : vector<1x16xf32> to vector<16xf32>
        %add3A_657 = arith.addf %scan3A_630, %get3A_656 : vector<16xf32>
        scf.yield %add3A_636, %add3A_643, %add3A_650, %add3A_657 : vector<16xf32>, vector<16xf32>, vector<16xf32>, vector<16xf32>
      }
      %scan3A_149 = arith.constant 20 : i32
      %swap3A_150 = arith.index_cast %add3A_135 : i32 to index
      %swap3A_151 = arith.constant 0 : index
      %swap3A_152 = tpu.vector_load %arg7[%swap3A_150, %swap3A_151] {strides = array<i32>} : memref<128x128xf32, #tpu.memory_space<vmem>>, vector<1x16xf32>,
      %swap3A_153 = vector.shape_cast %swap3A_152 : vector<1x16xf32> to vector<16xf32>
      %swap3A_154 = vector.shape_cast %scan3A_148#0 : vector<16xf32> to vector<1x16xf32>
      tpu.vector_store %arg7[%swap3A_150, %swap3A_151], %swap3A_154 {strides = array<i32>} : memref<128x128xf32, #tpu.memory_space<vmem>>, vector<1x16xf32>,
      %swap3A_155 = arith.index_cast %add3A_135 : i32 to index
      %swap3A_156 = arith.constant 16 : index
      %swap3A_157 = tpu.vector_load %arg7[%swap3A_155, %swap3A_156] {strides = array<i32>} : memref<128x128xf32, #tpu.memory_space<vmem>>, vector<1x16xf32>,
      %swap3A_158 = vector.shape_cast %swap3A_157 : vector<1x16xf32> to vector<16xf32>
      %swap3A_159 = vector.shape_cast %scan3A_148#1 : vector<16xf32> to vector<1x16xf32>
      tpu.vector_store %arg7[%swap3A_155, %swap3A_156], %swap3A_159 {strides = array<i32>} : memref<128x128xf32, #tpu.memory_space<vmem>>, vector<1x16xf32>,
      %swap3A_160 = arith.index_cast %add3A_135 : i32 to index
      %swap3A_161 = arith.constant 32 : index
      %swap3A_162 = tpu.vector_load %arg7[%swap3A_160, %swap3A_161] {strides = array<i32>} : memref<128x128xf32, #tpu.memory_space<vmem>>, vector<1x16xf32>,
      %swap3A_163 = vector.shape_cast %swap3A_162 : vector<1x16xf32> to vector<16xf32>
      %swap3A_164 = vector.shape_cast %scan3A_148#2 : vector<16xf32> to vector<1x16xf32>
      tpu.vector_store %arg7[%swap3A_160, %swap3A_161], %swap3A_164 {strides = array<i32>} : memref<128x128xf32, #tpu.memory_space<vmem>>, vector<1x16xf32>,
      %swap3A_165 = arith.index_cast %add3A_135 : i32 to index
      %swap3A_166 = arith.constant 48 : index
      %swap3A_167 = tpu.vector_load %arg7[%swap3A_165, %swap3A_166] {strides = array<i32>} : memref<128x128xf32, #tpu.memory_space<vmem>>, vector<1x16xf32>,
      %swap3A_168 = vector.shape_cast %swap3A_167 : vector<1x16xf32> to vector<16xf32>
      %swap3A_169 = vector.shape_cast %scan3A_148#3 : vector<16xf32> to vector<1x16xf32>
      tpu.vector_store %arg7[%swap3A_165, %swap3A_166], %swap3A_169 {strides = array<i32>} : memref<128x128xf32, #tpu.memory_space<vmem>>, vector<1x16xf32>,
      %mul3A_170 = arith.constant 16 : i32
      %mul3A_171 = arith.muli %scan3A_12, %mul3A_170 : i32
      %add3A_172 = arith.constant 4 : i32
      %add3A_173 = arith.addi %mul3A_171, %add3A_172 : i32
      %broadcast_in_dim3A_174 = arith.constant 0.000000e+00 : f32
      %broadcast_in_dim3A_175 = vector.broadcast %broadcast_in_dim3A_174 : f32 to vector<16xf32>
      %broadcast_in_dim3A_176 = arith.constant 0.000000e+00 : f32
      %broadcast_in_dim3A_177 = vector.broadcast %broadcast_in_dim3A_176 : f32 to vector<16xf32>
      %broadcast_in_dim3A_178 = arith.constant 0.000000e+00 : f32
      %broadcast_in_dim3A_179 = vector.broadcast %broadcast_in_dim3A_178 : f32 to vector<16xf32>
      %broadcast_in_dim3A_180 = arith.constant 0.000000e+00 : f32
      %broadcast_in_dim3A_181 = vector.broadcast %broadcast_in_dim3A_180 : f32 to vector<16xf32>
      %scan3A_182 = arith.constant 0 : i32
      %scan3A_183 = arith.constant 20 : i32
      %scan3A_184 = arith.addi %scan3A_182, %scan3A_183 : i32
      %scan3A_185 = arith.constant 1 : i32
      %scan3A_186:4 = scf.for %scan3A_626 = %scan3A_182 to %scan3A_184 step %scan3A_185 iter_args(%scan3A_627 = %broadcast_in_dim3A_175, %scan3A_628 = %broadcast_in_dim3A_177, %scan3A_629 = %broadcast_in_dim3A_179, %scan3A_630 = %broadcast_in_dim3A_181) -> (vector<16xf32>, vector<16xf32>, vector<16xf32>, vector<16xf32>)  : i32 {
        %add3A_631 = arith.constant 80 : i32
        %add3A_632 = arith.addi %add3A_631, %scan3A_626 : i32
        %get3A = arith.index_cast %add3A_632 : i32 to index
        %get3A_633 = arith.constant 0 : index
        %get3A_634 = tpu.vector_load %arg6[%get3A, %get3A_633] {strides = array<i32>} : memref<320x64xf32, #tpu.memory_space<vmem>>, vector<1x16xf32>,
        %get3A_635 = vector.shape_cast %get3A_634 : vector<1x16xf32> to vector<16xf32>
        %add3A_636 = arith.addf %scan3A_627, %get3A_635 : vector<16xf32>
        %add3A_637 = arith.constant 80 : i32
        %add3A_638 = arith.addi %add3A_637, %scan3A_626 : i32
        %get3A_639 = arith.index_cast %add3A_638 : i32 to index
        %get3A_640 = arith.constant 16 : index
        %get3A_641 = tpu.vector_load %arg6[%get3A_639, %get3A_640] {strides = array<i32>} : memref<320x64xf32, #tpu.memory_space<vmem>>, vector<1x16xf32>,
        %get3A_642 = vector.shape_cast %get3A_641 : vector<1x16xf32> to vector<16xf32>
        %add3A_643 = arith.addf %scan3A_628, %get3A_642 : vector<16xf32>
        %add3A_644 = arith.constant 80 : i32
        %add3A_645 = arith.addi %add3A_644, %scan3A_626 : i32
        %get3A_646 = arith.index_cast %add3A_645 : i32 to index
        %get3A_647 = arith.constant 32 : index
        %get3A_648 = tpu.vector_load %arg6[%get3A_646, %get3A_647] {strides = array<i32>} : memref<320x64xf32, #tpu.memory_space<vmem>>, vector<1x16xf32>,
        %get3A_649 = vector.shape_cast %get3A_648 : vector<1x16xf32> to vector<16xf32>
        %add3A_650 = arith.addf %scan3A_629, %get3A_649 : vector<16xf32>
        %add3A_651 = arith.constant 80 : i32
        %add3A_652 = arith.addi %add3A_651, %scan3A_626 : i32
        %get3A_653 = arith.index_cast %add3A_652 : i32 to index
        %get3A_654 = arith.constant 48 : index
        %get3A_655 = tpu.vector_load %arg6[%get3A_653, %get3A_654] {strides = array<i32>} : memref<320x64xf32, #tpu.memory_space<vmem>>, vector<1x16xf32>,
        %get3A_656 = vector.shape_cast %get3A_655 : vector<1x16xf32> to vector<16xf32>
        %add3A_657 = arith.addf %scan3A_630, %get3A_656 : vector<16xf32>
        scf.yield %add3A_636, %add3A_643, %add3A_650, %add3A_657 : vector<16xf32>, vector<16xf32>, vector<16xf32>, vector<16xf32>
      }
      %scan3A_187 = arith.constant 20 : i32
      %swap3A_188 = arith.index_cast %add3A_173 : i32 to index
      %swap3A_189 = arith.constant 0 : index
      %swap3A_190 = tpu.vector_load %arg7[%swap3A_188, %swap3A_189] {strides = array<i32>} : memref<128x128xf32, #tpu.memory_space<vmem>>, vector<1x16xf32>,
      %swap3A_191 = vector.shape_cast %swap3A_190 : vector<1x16xf32> to vector<16xf32>
      %swap3A_192 = vector.shape_cast %scan3A_186#0 : vector<16xf32> to vector<1x16xf32>
      tpu.vector_store %arg7[%swap3A_188, %swap3A_189], %swap3A_192 {strides = array<i32>} : memref<128x128xf32, #tpu.memory_space<vmem>>, vector<1x16xf32>,
      %swap3A_193 = arith.index_cast %add3A_173 : i32 to index
      %swap3A_194 = arith.constant 16 : index
      %swap3A_195 = tpu.vector_load %arg7[%swap3A_193, %swap3A_194] {strides = array<i32>} : memref<128x128xf32, #tpu.memory_space<vmem>>, vector<1x16xf32>,
      %swap3A_196 = vector.shape_cast %swap3A_195 : vector<1x16xf32> to vector<16xf32>
      %swap3A_197 = vector.shape_cast %scan3A_186#1 : vector<16xf32> to vector<1x16xf32>
      tpu.vector_store %arg7[%swap3A_193, %swap3A_194], %swap3A_197 {strides = array<i32>} : memref<128x128xf32, #tpu.memory_space<vmem>>, vector<1x16xf32>,
      %swap3A_198 = arith.index_cast %add3A_173 : i32 to index
      %swap3A_199 = arith.constant 32 : index
      %swap3A_200 = tpu.vector_load %arg7[%swap3A_198, %swap3A_199] {strides = array<i32>} : memref<128x128xf32, #tpu.memory_space<vmem>>, vector<1x16xf32>,
      %swap3A_201 = vector.shape_cast %swap3A_200 : vector<1x16xf32> to vector<16xf32>
      %swap3A_202 = vector.shape_cast %scan3A_186#2 : vector<16xf32> to vector<1x16xf32>
      tpu.vector_store %arg7[%swap3A_198, %swap3A_199], %swap3A_202 {strides = array<i32>} : memref<128x128xf32, #tpu.memory_space<vmem>>, vector<1x16xf32>,
      %swap3A_203 = arith.index_cast %add3A_173 : i32 to index
      %swap3A_204 = arith.constant 48 : index
      %swap3A_205 = tpu.vector_load %arg7[%swap3A_203, %swap3A_204] {strides = array<i32>} : memref<128x128xf32, #tpu.memory_space<vmem>>, vector<1x16xf32>,
      %swap3A_206 = vector.shape_cast %swap3A_205 : vector<1x16xf32> to vector<16xf32>
      %swap3A_207 = vector.shape_cast %scan3A_186#3 : vector<16xf32> to vector<1x16xf32>
      tpu.vector_store %arg7[%swap3A_203, %swap3A_204], %swap3A_207 {strides = array<i32>} : memref<128x128xf32, #tpu.memory_space<vmem>>, vector<1x16xf32>,
      %mul3A_208 = arith.constant 16 : i32
      %mul3A_209 = arith.muli %scan3A_12, %mul3A_208 : i32
      %add3A_210 = arith.constant 5 : i32
      %add3A_211 = arith.addi %mul3A_209, %add3A_210 : i32
      %broadcast_in_dim3A_212 = arith.constant 0.000000e+00 : f32
      %broadcast_in_dim3A_213 = vector.broadcast %broadcast_in_dim3A_212 : f32 to vector<16xf32>
      %broadcast_in_dim3A_214 = arith.constant 0.000000e+00 : f32
      %broadcast_in_dim3A_215 = vector.broadcast %broadcast_in_dim3A_214 : f32 to vector<16xf32>
      %broadcast_in_dim3A_216 = arith.constant 0.000000e+00 : f32
      %broadcast_in_dim3A_217 = vector.broadcast %broadcast_in_dim3A_216 : f32 to vector<16xf32>
      %broadcast_in_dim3A_218 = arith.constant 0.000000e+00 : f32
      %broadcast_in_dim3A_219 = vector.broadcast %broadcast_in_dim3A_218 : f32 to vector<16xf32>
      %scan3A_220 = arith.constant 0 : i32
      %scan3A_221 = arith.constant 20 : i32
      %scan3A_222 = arith.addi %scan3A_220, %scan3A_221 : i32
      %scan3A_223 = arith.constant 1 : i32
      %scan3A_224:4 = scf.for %scan3A_626 = %scan3A_220 to %scan3A_222 step %scan3A_223 iter_args(%scan3A_627 = %broadcast_in_dim3A_213, %scan3A_628 = %broadcast_in_dim3A_215, %scan3A_629 = %broadcast_in_dim3A_217, %scan3A_630 = %broadcast_in_dim3A_219) -> (vector<16xf32>, vector<16xf32>, vector<16xf32>, vector<16xf32>)  : i32 {
        %add3A_631 = arith.constant 100 : i32
        %add3A_632 = arith.addi %add3A_631, %scan3A_626 : i32
        %get3A = arith.index_cast %add3A_632 : i32 to index
        %get3A_633 = arith.constant 0 : index
        %get3A_634 = tpu.vector_load %arg6[%get3A, %get3A_633] {strides = array<i32>} : memref<320x64xf32, #tpu.memory_space<vmem>>, vector<1x16xf32>,
        %get3A_635 = vector.shape_cast %get3A_634 : vector<1x16xf32> to vector<16xf32>
        %add3A_636 = arith.addf %scan3A_627, %get3A_635 : vector<16xf32>
        %add3A_637 = arith.constant 100 : i32
        %add3A_638 = arith.addi %add3A_637, %scan3A_626 : i32
        %get3A_639 = arith.index_cast %add3A_638 : i32 to index
        %get3A_640 = arith.constant 16 : index
        %get3A_641 = tpu.vector_load %arg6[%get3A_639, %get3A_640] {strides = array<i32>} : memref<320x64xf32, #tpu.memory_space<vmem>>, vector<1x16xf32>,
        %get3A_642 = vector.shape_cast %get3A_641 : vector<1x16xf32> to vector<16xf32>
        %add3A_643 = arith.addf %scan3A_628, %get3A_642 : vector<16xf32>
        %add3A_644 = arith.constant 100 : i32
        %add3A_645 = arith.addi %add3A_644, %scan3A_626 : i32
        %get3A_646 = arith.index_cast %add3A_645 : i32 to index
        %get3A_647 = arith.constant 32 : index
        %get3A_648 = tpu.vector_load %arg6[%get3A_646, %get3A_647] {strides = array<i32>} : memref<320x64xf32, #tpu.memory_space<vmem>>, vector<1x16xf32>,
        %get3A_649 = vector.shape_cast %get3A_648 : vector<1x16xf32> to vector<16xf32>
        %add3A_650 = arith.addf %scan3A_629, %get3A_649 : vector<16xf32>
        %add3A_651 = arith.constant 100 : i32
        %add3A_652 = arith.addi %add3A_651, %scan3A_626 : i32
        %get3A_653 = arith.index_cast %add3A_652 : i32 to index
        %get3A_654 = arith.constant 48 : index
        %get3A_655 = tpu.vector_load %arg6[%get3A_653, %get3A_654] {strides = array<i32>} : memref<320x64xf32, #tpu.memory_space<vmem>>, vector<1x16xf32>,
        %get3A_656 = vector.shape_cast %get3A_655 : vector<1x16xf32> to vector<16xf32>
        %add3A_657 = arith.addf %scan3A_630, %get3A_656 : vector<16xf32>
        scf.yield %add3A_636, %add3A_643, %add3A_650, %add3A_657 : vector<16xf32>, vector<16xf32>, vector<16xf32>, vector<16xf32>
      }
      %scan3A_225 = arith.constant 20 : i32
      %swap3A_226 = arith.index_cast %add3A_211 : i32 to index
      %swap3A_227 = arith.constant 0 : index
      %swap3A_228 = tpu.vector_load %arg7[%swap3A_226, %swap3A_227] {strides = array<i32>} : memref<128x128xf32, #tpu.memory_space<vmem>>, vector<1x16xf32>,
      %swap3A_229 = vector.shape_cast %swap3A_228 : vector<1x16xf32> to vector<16xf32>
      %swap3A_230 = vector.shape_cast %scan3A_224#0 : vector<16xf32> to vector<1x16xf32>
      tpu.vector_store %arg7[%swap3A_226, %swap3A_227], %swap3A_230 {strides = array<i32>} : memref<128x128xf32, #tpu.memory_space<vmem>>, vector<1x16xf32>,
      %swap3A_231 = arith.index_cast %add3A_211 : i32 to index
      %swap3A_232 = arith.constant 16 : index
      %swap3A_233 = tpu.vector_load %arg7[%swap3A_231, %swap3A_232] {strides = array<i32>} : memref<128x128xf32, #tpu.memory_space<vmem>>, vector<1x16xf32>,
      %swap3A_234 = vector.shape_cast %swap3A_233 : vector<1x16xf32> to vector<16xf32>
      %swap3A_235 = vector.shape_cast %scan3A_224#1 : vector<16xf32> to vector<1x16xf32>
      tpu.vector_store %arg7[%swap3A_231, %swap3A_232], %swap3A_235 {strides = array<i32>} : memref<128x128xf32, #tpu.memory_space<vmem>>, vector<1x16xf32>,
      %swap3A_236 = arith.index_cast %add3A_211 : i32 to index
      %swap3A_237 = arith.constant 32 : index
      %swap3A_238 = tpu.vector_load %arg7[%swap3A_236, %swap3A_237] {strides = array<i32>} : memref<128x128xf32, #tpu.memory_space<vmem>>, vector<1x16xf32>,
      %swap3A_239 = vector.shape_cast %swap3A_238 : vector<1x16xf32> to vector<16xf32>
      %swap3A_240 = vector.shape_cast %scan3A_224#2 : vector<16xf32> to vector<1x16xf32>
      tpu.vector_store %arg7[%swap3A_236, %swap3A_237], %swap3A_240 {strides = array<i32>} : memref<128x128xf32, #tpu.memory_space<vmem>>, vector<1x16xf32>,
      %swap3A_241 = arith.index_cast %add3A_211 : i32 to index
      %swap3A_242 = arith.constant 48 : index
      %swap3A_243 = tpu.vector_load %arg7[%swap3A_241, %swap3A_242] {strides = array<i32>} : memref<128x128xf32, #tpu.memory_space<vmem>>, vector<1x16xf32>,
      %swap3A_244 = vector.shape_cast %swap3A_243 : vector<1x16xf32> to vector<16xf32>
      %swap3A_245 = vector.shape_cast %scan3A_224#3 : vector<16xf32> to vector<1x16xf32>
      tpu.vector_store %arg7[%swap3A_241, %swap3A_242], %swap3A_245 {strides = array<i32>} : memref<128x128xf32, #tpu.memory_space<vmem>>, vector<1x16xf32>,
      %mul3A_246 = arith.constant 16 : i32
      %mul3A_247 = arith.muli %scan3A_12, %mul3A_246 : i32
      %add3A_248 = arith.constant 6 : i32
      %add3A_249 = arith.addi %mul3A_247, %add3A_248 : i32
      %broadcast_in_dim3A_250 = arith.constant 0.000000e+00 : f32
      %broadcast_in_dim3A_251 = vector.broadcast %broadcast_in_dim3A_250 : f32 to vector<16xf32>
      %broadcast_in_dim3A_252 = arith.constant 0.000000e+00 : f32
      %broadcast_in_dim3A_253 = vector.broadcast %broadcast_in_dim3A_252 : f32 to vector<16xf32>
      %broadcast_in_dim3A_254 = arith.constant 0.000000e+00 : f32
      %broadcast_in_dim3A_255 = vector.broadcast %broadcast_in_dim3A_254 : f32 to vector<16xf32>
      %broadcast_in_dim3A_256 = arith.constant 0.000000e+00 : f32
      %broadcast_in_dim3A_257 = vector.broadcast %broadcast_in_dim3A_256 : f32 to vector<16xf32>
      %scan3A_258 = arith.constant 0 : i32
      %scan3A_259 = arith.constant 20 : i32
      %scan3A_260 = arith.addi %scan3A_258, %scan3A_259 : i32
      %scan3A_261 = arith.constant 1 : i32
      %scan3A_262:4 = scf.for %scan3A_626 = %scan3A_258 to %scan3A_260 step %scan3A_261 iter_args(%scan3A_627 = %broadcast_in_dim3A_251, %scan3A_628 = %broadcast_in_dim3A_253, %scan3A_629 = %broadcast_in_dim3A_255, %scan3A_630 = %broadcast_in_dim3A_257) -> (vector<16xf32>, vector<16xf32>, vector<16xf32>, vector<16xf32>)  : i32 {
        %add3A_631 = arith.constant 120 : i32
        %add3A_632 = arith.addi %add3A_631, %scan3A_626 : i32
        %get3A = arith.index_cast %add3A_632 : i32 to index
        %get3A_633 = arith.constant 0 : index
        %get3A_634 = tpu.vector_load %arg6[%get3A, %get3A_633] {strides = array<i32>} : memref<320x64xf32, #tpu.memory_space<vmem>>, vector<1x16xf32>,
        %get3A_635 = vector.shape_cast %get3A_634 : vector<1x16xf32> to vector<16xf32>
        %add3A_636 = arith.addf %scan3A_627, %get3A_635 : vector<16xf32>
        %add3A_637 = arith.constant 120 : i32
        %add3A_638 = arith.addi %add3A_637, %scan3A_626 : i32
        %get3A_639 = arith.index_cast %add3A_638 : i32 to index
        %get3A_640 = arith.constant 16 : index
        %get3A_641 = tpu.vector_load %arg6[%get3A_639, %get3A_640] {strides = array<i32>} : memref<320x64xf32, #tpu.memory_space<vmem>>, vector<1x16xf32>,
        %get3A_642 = vector.shape_cast %get3A_641 : vector<1x16xf32> to vector<16xf32>
        %add3A_643 = arith.addf %scan3A_628, %get3A_642 : vector<16xf32>
        %add3A_644 = arith.constant 120 : i32
        %add3A_645 = arith.addi %add3A_644, %scan3A_626 : i32
        %get3A_646 = arith.index_cast %add3A_645 : i32 to index
        %get3A_647 = arith.constant 32 : index
        %get3A_648 = tpu.vector_load %arg6[%get3A_646, %get3A_647] {strides = array<i32>} : memref<320x64xf32, #tpu.memory_space<vmem>>, vector<1x16xf32>,
        %get3A_649 = vector.shape_cast %get3A_648 : vector<1x16xf32> to vector<16xf32>
        %add3A_650 = arith.addf %scan3A_629, %get3A_649 : vector<16xf32>
        %add3A_651 = arith.constant 120 : i32
        %add3A_652 = arith.addi %add3A_651, %scan3A_626 : i32
        %get3A_653 = arith.index_cast %add3A_652 : i32 to index
        %get3A_654 = arith.constant 48 : index
        %get3A_655 = tpu.vector_load %arg6[%get3A_653, %get3A_654] {strides = array<i32>} : memref<320x64xf32, #tpu.memory_space<vmem>>, vector<1x16xf32>,
        %get3A_656 = vector.shape_cast %get3A_655 : vector<1x16xf32> to vector<16xf32>
        %add3A_657 = arith.addf %scan3A_630, %get3A_656 : vector<16xf32>
        scf.yield %add3A_636, %add3A_643, %add3A_650, %add3A_657 : vector<16xf32>, vector<16xf32>, vector<16xf32>, vector<16xf32>
      }
      %scan3A_263 = arith.constant 20 : i32
      %swap3A_264 = arith.index_cast %add3A_249 : i32 to index
      %swap3A_265 = arith.constant 0 : index
      %swap3A_266 = tpu.vector_load %arg7[%swap3A_264, %swap3A_265] {strides = array<i32>} : memref<128x128xf32, #tpu.memory_space<vmem>>, vector<1x16xf32>,
      %swap3A_267 = vector.shape_cast %swap3A_266 : vector<1x16xf32> to vector<16xf32>
      %swap3A_268 = vector.shape_cast %scan3A_262#0 : vector<16xf32> to vector<1x16xf32>
      tpu.vector_store %arg7[%swap3A_264, %swap3A_265], %swap3A_268 {strides = array<i32>} : memref<128x128xf32, #tpu.memory_space<vmem>>, vector<1x16xf32>,
      %swap3A_269 = arith.index_cast %add3A_249 : i32 to index
      %swap3A_270 = arith.constant 16 : index
      %swap3A_271 = tpu.vector_load %arg7[%swap3A_269, %swap3A_270] {strides = array<i32>} : memref<128x128xf32, #tpu.memory_space<vmem>>, vector<1x16xf32>,
      %swap3A_272 = vector.shape_cast %swap3A_271 : vector<1x16xf32> to vector<16xf32>
      %swap3A_273 = vector.shape_cast %scan3A_262#1 : vector<16xf32> to vector<1x16xf32>
      tpu.vector_store %arg7[%swap3A_269, %swap3A_270], %swap3A_273 {strides = array<i32>} : memref<128x128xf32, #tpu.memory_space<vmem>>, vector<1x16xf32>,
      %swap3A_274 = arith.index_cast %add3A_249 : i32 to index
      %swap3A_275 = arith.constant 32 : index
      %swap3A_276 = tpu.vector_load %arg7[%swap3A_274, %swap3A_275] {strides = array<i32>} : memref<128x128xf32, #tpu.memory_space<vmem>>, vector<1x16xf32>,
      %swap3A_277 = vector.shape_cast %swap3A_276 : vector<1x16xf32> to vector<16xf32>
      %swap3A_278 = vector.shape_cast %scan3A_262#2 : vector<16xf32> to vector<1x16xf32>
      tpu.vector_store %arg7[%swap3A_274, %swap3A_275], %swap3A_278 {strides = array<i32>} : memref<128x128xf32, #tpu.memory_space<vmem>>, vector<1x16xf32>,
      %swap3A_279 = arith.index_cast %add3A_249 : i32 to index
      %swap3A_280 = arith.constant 48 : index
      %swap3A_281 = tpu.vector_load %arg7[%swap3A_279, %swap3A_280] {strides = array<i32>} : memref<128x128xf32, #tpu.memory_space<vmem>>, vector<1x16xf32>,
      %swap3A_282 = vector.shape_cast %swap3A_281 : vector<1x16xf32> to vector<16xf32>
      %swap3A_283 = vector.shape_cast %scan3A_262#3 : vector<16xf32> to vector<1x16xf32>
      tpu.vector_store %arg7[%swap3A_279, %swap3A_280], %swap3A_283 {strides = array<i32>} : memref<128x128xf32, #tpu.memory_space<vmem>>, vector<1x16xf32>,
      %mul3A_284 = arith.constant 16 : i32
      %mul3A_285 = arith.muli %scan3A_12, %mul3A_284 : i32
      %add3A_286 = arith.constant 7 : i32
      %add3A_287 = arith.addi %mul3A_285, %add3A_286 : i32
      %broadcast_in_dim3A_288 = arith.constant 0.000000e+00 : f32
      %broadcast_in_dim3A_289 = vector.broadcast %broadcast_in_dim3A_288 : f32 to vector<16xf32>
      %broadcast_in_dim3A_290 = arith.constant 0.000000e+00 : f32
      %broadcast_in_dim3A_291 = vector.broadcast %broadcast_in_dim3A_290 : f32 to vector<16xf32>
      %broadcast_in_dim3A_292 = arith.constant 0.000000e+00 : f32
      %broadcast_in_dim3A_293 = vector.broadcast %broadcast_in_dim3A_292 : f32 to vector<16xf32>
      %broadcast_in_dim3A_294 = arith.constant 0.000000e+00 : f32
      %broadcast_in_dim3A_295 = vector.broadcast %broadcast_in_dim3A_294 : f32 to vector<16xf32>
      %scan3A_296 = arith.constant 0 : i32
      %scan3A_297 = arith.constant 20 : i32
      %scan3A_298 = arith.addi %scan3A_296, %scan3A_297 : i32
      %scan3A_299 = arith.constant 1 : i32
      %scan3A_300:4 = scf.for %scan3A_626 = %scan3A_296 to %scan3A_298 step %scan3A_299 iter_args(%scan3A_627 = %broadcast_in_dim3A_289, %scan3A_628 = %broadcast_in_dim3A_291, %scan3A_629 = %broadcast_in_dim3A_293, %scan3A_630 = %broadcast_in_dim3A_295) -> (vector<16xf32>, vector<16xf32>, vector<16xf32>, vector<16xf32>)  : i32 {
        %add3A_631 = arith.constant 140 : i32
        %add3A_632 = arith.addi %add3A_631, %scan3A_626 : i32
        %get3A = arith.index_cast %add3A_632 : i32 to index
        %get3A_633 = arith.constant 0 : index
        %get3A_634 = tpu.vector_load %arg6[%get3A, %get3A_633] {strides = array<i32>} : memref<320x64xf32, #tpu.memory_space<vmem>>, vector<1x16xf32>,
        %get3A_635 = vector.shape_cast %get3A_634 : vector<1x16xf32> to vector<16xf32>
        %add3A_636 = arith.addf %scan3A_627, %get3A_635 : vector<16xf32>
        %add3A_637 = arith.constant 140 : i32
        %add3A_638 = arith.addi %add3A_637, %scan3A_626 : i32
        %get3A_639 = arith.index_cast %add3A_638 : i32 to index
        %get3A_640 = arith.constant 16 : index
        %get3A_641 = tpu.vector_load %arg6[%get3A_639, %get3A_640] {strides = array<i32>} : memref<320x64xf32, #tpu.memory_space<vmem>>, vector<1x16xf32>,
        %get3A_642 = vector.shape_cast %get3A_641 : vector<1x16xf32> to vector<16xf32>
        %add3A_643 = arith.addf %scan3A_628, %get3A_642 : vector<16xf32>
        %add3A_644 = arith.constant 140 : i32
        %add3A_645 = arith.addi %add3A_644, %scan3A_626 : i32
        %get3A_646 = arith.index_cast %add3A_645 : i32 to index
        %get3A_647 = arith.constant 32 : index
        %get3A_648 = tpu.vector_load %arg6[%get3A_646, %get3A_647] {strides = array<i32>} : memref<320x64xf32, #tpu.memory_space<vmem>>, vector<1x16xf32>,
        %get3A_649 = vector.shape_cast %get3A_648 : vector<1x16xf32> to vector<16xf32>
        %add3A_650 = arith.addf %scan3A_629, %get3A_649 : vector<16xf32>
        %add3A_651 = arith.constant 140 : i32
        %add3A_652 = arith.addi %add3A_651, %scan3A_626 : i32
        %get3A_653 = arith.index_cast %add3A_652 : i32 to index
        %get3A_654 = arith.constant 48 : index
        %get3A_655 = tpu.vector_load %arg6[%get3A_653, %get3A_654] {strides = array<i32>} : memref<320x64xf32, #tpu.memory_space<vmem>>, vector<1x16xf32>,
        %get3A_656 = vector.shape_cast %get3A_655 : vector<1x16xf32> to vector<16xf32>
        %add3A_657 = arith.addf %scan3A_630, %get3A_656 : vector<16xf32>
        scf.yield %add3A_636, %add3A_643, %add3A_650, %add3A_657 : vector<16xf32>, vector<16xf32>, vector<16xf32>, vector<16xf32>
      }
      %scan3A_301 = arith.constant 20 : i32
      %swap3A_302 = arith.index_cast %add3A_287 : i32 to index
      %swap3A_303 = arith.constant 0 : index
      %swap3A_304 = tpu.vector_load %arg7[%swap3A_302, %swap3A_303] {strides = array<i32>} : memref<128x128xf32, #tpu.memory_space<vmem>>, vector<1x16xf32>,
      %swap3A_305 = vector.shape_cast %swap3A_304 : vector<1x16xf32> to vector<16xf32>
      %swap3A_306 = vector.shape_cast %scan3A_300#0 : vector<16xf32> to vector<1x16xf32>
      tpu.vector_store %arg7[%swap3A_302, %swap3A_303], %swap3A_306 {strides = array<i32>} : memref<128x128xf32, #tpu.memory_space<vmem>>, vector<1x16xf32>,
      %swap3A_307 = arith.index_cast %add3A_287 : i32 to index
      %swap3A_308 = arith.constant 16 : index
      %swap3A_309 = tpu.vector_load %arg7[%swap3A_307, %swap3A_308] {strides = array<i32>} : memref<128x128xf32, #tpu.memory_space<vmem>>, vector<1x16xf32>,
      %swap3A_310 = vector.shape_cast %swap3A_309 : vector<1x16xf32> to vector<16xf32>
      %swap3A_311 = vector.shape_cast %scan3A_300#1 : vector<16xf32> to vector<1x16xf32>
      tpu.vector_store %arg7[%swap3A_307, %swap3A_308], %swap3A_311 {strides = array<i32>} : memref<128x128xf32, #tpu.memory_space<vmem>>, vector<1x16xf32>,
      %swap3A_312 = arith.index_cast %add3A_287 : i32 to index
      %swap3A_313 = arith.constant 32 : index
      %swap3A_314 = tpu.vector_load %arg7[%swap3A_312, %swap3A_313] {strides = array<i32>} : memref<128x128xf32, #tpu.memory_space<vmem>>, vector<1x16xf32>,
      %swap3A_315 = vector.shape_cast %swap3A_314 : vector<1x16xf32> to vector<16xf32>
      %swap3A_316 = vector.shape_cast %scan3A_300#2 : vector<16xf32> to vector<1x16xf32>
      tpu.vector_store %arg7[%swap3A_312, %swap3A_313], %swap3A_316 {strides = array<i32>} : memref<128x128xf32, #tpu.memory_space<vmem>>, vector<1x16xf32>,
      %swap3A_317 = arith.index_cast %add3A_287 : i32 to index
      %swap3A_318 = arith.constant 48 : index
      %swap3A_319 = tpu.vector_load %arg7[%swap3A_317, %swap3A_318] {strides = array<i32>} : memref<128x128xf32, #tpu.memory_space<vmem>>, vector<1x16xf32>,
      %swap3A_320 = vector.shape_cast %swap3A_319 : vector<1x16xf32> to vector<16xf32>
      %swap3A_321 = vector.shape_cast %scan3A_300#3 : vector<16xf32> to vector<1x16xf32>
      tpu.vector_store %arg7[%swap3A_317, %swap3A_318], %swap3A_321 {strides = array<i32>} : memref<128x128xf32, #tpu.memory_space<vmem>>, vector<1x16xf32>,
      %mul3A_322 = arith.constant 16 : i32
      %mul3A_323 = arith.muli %scan3A_12, %mul3A_322 : i32
      %add3A_324 = arith.constant 8 : i32
      %add3A_325 = arith.addi %mul3A_323, %add3A_324 : i32
      %broadcast_in_dim3A_326 = arith.constant 0.000000e+00 : f32
      %broadcast_in_dim3A_327 = vector.broadcast %broadcast_in_dim3A_326 : f32 to vector<16xf32>
      %broadcast_in_dim3A_328 = arith.constant 0.000000e+00 : f32
      %broadcast_in_dim3A_329 = vector.broadcast %broadcast_in_dim3A_328 : f32 to vector<16xf32>
      %broadcast_in_dim3A_330 = arith.constant 0.000000e+00 : f32
      %broadcast_in_dim3A_331 = vector.broadcast %broadcast_in_dim3A_330 : f32 to vector<16xf32>
      %broadcast_in_dim3A_332 = arith.constant 0.000000e+00 : f32
      %broadcast_in_dim3A_333 = vector.broadcast %broadcast_in_dim3A_332 : f32 to vector<16xf32>
      %scan3A_334 = arith.constant 0 : i32
      %scan3A_335 = arith.constant 20 : i32
      %scan3A_336 = arith.addi %scan3A_334, %scan3A_335 : i32
      %scan3A_337 = arith.constant 1 : i32
      %scan3A_338:4 = scf.for %scan3A_626 = %scan3A_334 to %scan3A_336 step %scan3A_337 iter_args(%scan3A_627 = %broadcast_in_dim3A_327, %scan3A_628 = %broadcast_in_dim3A_329, %scan3A_629 = %broadcast_in_dim3A_331, %scan3A_630 = %broadcast_in_dim3A_333) -> (vector<16xf32>, vector<16xf32>, vector<16xf32>, vector<16xf32>)  : i32 {
        %add3A_631 = arith.constant 160 : i32
        %add3A_632 = arith.addi %add3A_631, %scan3A_626 : i32
        %get3A = arith.index_cast %add3A_632 : i32 to index
        %get3A_633 = arith.constant 0 : index
        %get3A_634 = tpu.vector_load %arg6[%get3A, %get3A_633] {strides = array<i32>} : memref<320x64xf32, #tpu.memory_space<vmem>>, vector<1x16xf32>,
        %get3A_635 = vector.shape_cast %get3A_634 : vector<1x16xf32> to vector<16xf32>
        %add3A_636 = arith.addf %scan3A_627, %get3A_635 : vector<16xf32>
        %add3A_637 = arith.constant 160 : i32
        %add3A_638 = arith.addi %add3A_637, %scan3A_626 : i32
        %get3A_639 = arith.index_cast %add3A_638 : i32 to index
        %get3A_640 = arith.constant 16 : index
        %get3A_641 = tpu.vector_load %arg6[%get3A_639, %get3A_640] {strides = array<i32>} : memref<320x64xf32, #tpu.memory_space<vmem>>, vector<1x16xf32>,
        %get3A_642 = vector.shape_cast %get3A_641 : vector<1x16xf32> to vector<16xf32>
        %add3A_643 = arith.addf %scan3A_628, %get3A_642 : vector<16xf32>
        %add3A_644 = arith.constant 160 : i32
        %add3A_645 = arith.addi %add3A_644, %scan3A_626 : i32
        %get3A_646 = arith.index_cast %add3A_645 : i32 to index
        %get3A_647 = arith.constant 32 : index
        %get3A_648 = tpu.vector_load %arg6[%get3A_646, %get3A_647] {strides = array<i32>} : memref<320x64xf32, #tpu.memory_space<vmem>>, vector<1x16xf32>,
        %get3A_649 = vector.shape_cast %get3A_648 : vector<1x16xf32> to vector<16xf32>
        %add3A_650 = arith.addf %scan3A_629, %get3A_649 : vector<16xf32>
        %add3A_651 = arith.constant 160 : i32
        %add3A_652 = arith.addi %add3A_651, %scan3A_626 : i32
        %get3A_653 = arith.index_cast %add3A_652 : i32 to index
        %get3A_654 = arith.constant 48 : index
        %get3A_655 = tpu.vector_load %arg6[%get3A_653, %get3A_654] {strides = array<i32>} : memref<320x64xf32, #tpu.memory_space<vmem>>, vector<1x16xf32>,
        %get3A_656 = vector.shape_cast %get3A_655 : vector<1x16xf32> to vector<16xf32>
        %add3A_657 = arith.addf %scan3A_630, %get3A_656 : vector<16xf32>
        scf.yield %add3A_636, %add3A_643, %add3A_650, %add3A_657 : vector<16xf32>, vector<16xf32>, vector<16xf32>, vector<16xf32>
      }
      %scan3A_339 = arith.constant 20 : i32
      %swap3A_340 = arith.index_cast %add3A_325 : i32 to index
      %swap3A_341 = arith.constant 0 : index
      %swap3A_342 = tpu.vector_load %arg7[%swap3A_340, %swap3A_341] {strides = array<i32>} : memref<128x128xf32, #tpu.memory_space<vmem>>, vector<1x16xf32>,
      %swap3A_343 = vector.shape_cast %swap3A_342 : vector<1x16xf32> to vector<16xf32>
      %swap3A_344 = vector.shape_cast %scan3A_338#0 : vector<16xf32> to vector<1x16xf32>
      tpu.vector_store %arg7[%swap3A_340, %swap3A_341], %swap3A_344 {strides = array<i32>} : memref<128x128xf32, #tpu.memory_space<vmem>>, vector<1x16xf32>,
      %swap3A_345 = arith.index_cast %add3A_325 : i32 to index
      %swap3A_346 = arith.constant 16 : index
      %swap3A_347 = tpu.vector_load %arg7[%swap3A_345, %swap3A_346] {strides = array<i32>} : memref<128x128xf32, #tpu.memory_space<vmem>>, vector<1x16xf32>,
      %swap3A_348 = vector.shape_cast %swap3A_347 : vector<1x16xf32> to vector<16xf32>
      %swap3A_349 = vector.shape_cast %scan3A_338#1 : vector<16xf32> to vector<1x16xf32>
      tpu.vector_store %arg7[%swap3A_345, %swap3A_346], %swap3A_349 {strides = array<i32>} : memref<128x128xf32, #tpu.memory_space<vmem>>, vector<1x16xf32>,
      %swap3A_350 = arith.index_cast %add3A_325 : i32 to index
      %swap3A_351 = arith.constant 32 : index
      %swap3A_352 = tpu.vector_load %arg7[%swap3A_350, %swap3A_351] {strides = array<i32>} : memref<128x128xf32, #tpu.memory_space<vmem>>, vector<1x16xf32>,
      %swap3A_353 = vector.shape_cast %swap3A_352 : vector<1x16xf32> to vector<16xf32>
      %swap3A_354 = vector.shape_cast %scan3A_338#2 : vector<16xf32> to vector<1x16xf32>
      tpu.vector_store %arg7[%swap3A_350, %swap3A_351], %swap3A_354 {strides = array<i32>} : memref<128x128xf32, #tpu.memory_space<vmem>>, vector<1x16xf32>,
      %swap3A_355 = arith.index_cast %add3A_325 : i32 to index
      %swap3A_356 = arith.constant 48 : index
      %swap3A_357 = tpu.vector_load %arg7[%swap3A_355, %swap3A_356] {strides = array<i32>} : memref<128x128xf32, #tpu.memory_space<vmem>>, vector<1x16xf32>,
      %swap3A_358 = vector.shape_cast %swap3A_357 : vector<1x16xf32> to vector<16xf32>
      %swap3A_359 = vector.shape_cast %scan3A_338#3 : vector<16xf32> to vector<1x16xf32>
      tpu.vector_store %arg7[%swap3A_355, %swap3A_356], %swap3A_359 {strides = array<i32>} : memref<128x128xf32, #tpu.memory_space<vmem>>, vector<1x16xf32>,
      %mul3A_360 = arith.constant 16 : i32
      %mul3A_361 = arith.muli %scan3A_12, %mul3A_360 : i32
      %add3A_362 = arith.constant 9 : i32
      %add3A_363 = arith.addi %mul3A_361, %add3A_362 : i32
      %broadcast_in_dim3A_364 = arith.constant 0.000000e+00 : f32
      %broadcast_in_dim3A_365 = vector.broadcast %broadcast_in_dim3A_364 : f32 to vector<16xf32>
      %broadcast_in_dim3A_366 = arith.constant 0.000000e+00 : f32
      %broadcast_in_dim3A_367 = vector.broadcast %broadcast_in_dim3A_366 : f32 to vector<16xf32>
      %broadcast_in_dim3A_368 = arith.constant 0.000000e+00 : f32
      %broadcast_in_dim3A_369 = vector.broadcast %broadcast_in_dim3A_368 : f32 to vector<16xf32>
      %broadcast_in_dim3A_370 = arith.constant 0.000000e+00 : f32
      %broadcast_in_dim3A_371 = vector.broadcast %broadcast_in_dim3A_370 : f32 to vector<16xf32>
      %scan3A_372 = arith.constant 0 : i32
      %scan3A_373 = arith.constant 20 : i32
      %scan3A_374 = arith.addi %scan3A_372, %scan3A_373 : i32
      %scan3A_375 = arith.constant 1 : i32
      %scan3A_376:4 = scf.for %scan3A_626 = %scan3A_372 to %scan3A_374 step %scan3A_375 iter_args(%scan3A_627 = %broadcast_in_dim3A_365, %scan3A_628 = %broadcast_in_dim3A_367, %scan3A_629 = %broadcast_in_dim3A_369, %scan3A_630 = %broadcast_in_dim3A_371) -> (vector<16xf32>, vector<16xf32>, vector<16xf32>, vector<16xf32>)  : i32 {
        %add3A_631 = arith.constant 180 : i32
        %add3A_632 = arith.addi %add3A_631, %scan3A_626 : i32
        %get3A = arith.index_cast %add3A_632 : i32 to index
        %get3A_633 = arith.constant 0 : index
        %get3A_634 = tpu.vector_load %arg6[%get3A, %get3A_633] {strides = array<i32>} : memref<320x64xf32, #tpu.memory_space<vmem>>, vector<1x16xf32>,
        %get3A_635 = vector.shape_cast %get3A_634 : vector<1x16xf32> to vector<16xf32>
        %add3A_636 = arith.addf %scan3A_627, %get3A_635 : vector<16xf32>
        %add3A_637 = arith.constant 180 : i32
        %add3A_638 = arith.addi %add3A_637, %scan3A_626 : i32
        %get3A_639 = arith.index_cast %add3A_638 : i32 to index
        %get3A_640 = arith.constant 16 : index
        %get3A_641 = tpu.vector_load %arg6[%get3A_639, %get3A_640] {strides = array<i32>} : memref<320x64xf32, #tpu.memory_space<vmem>>, vector<1x16xf32>,
        %get3A_642 = vector.shape_cast %get3A_641 : vector<1x16xf32> to vector<16xf32>
        %add3A_643 = arith.addf %scan3A_628, %get3A_642 : vector<16xf32>
        %add3A_644 = arith.constant 180 : i32
        %add3A_645 = arith.addi %add3A_644, %scan3A_626 : i32
        %get3A_646 = arith.index_cast %add3A_645 : i32 to index
        %get3A_647 = arith.constant 32 : index
        %get3A_648 = tpu.vector_load %arg6[%get3A_646, %get3A_647] {strides = array<i32>} : memref<320x64xf32, #tpu.memory_space<vmem>>, vector<1x16xf32>,
        %get3A_649 = vector.shape_cast %get3A_648 : vector<1x16xf32> to vector<16xf32>
        %add3A_650 = arith.addf %scan3A_629, %get3A_649 : vector<16xf32>
        %add3A_651 = arith.constant 180 : i32
        %add3A_652 = arith.addi %add3A_651, %scan3A_626 : i32
        %get3A_653 = arith.index_cast %add3A_652 : i32 to index
        %get3A_654 = arith.constant 48 : index
        %get3A_655 = tpu.vector_load %arg6[%get3A_653, %get3A_654] {strides = array<i32>} : memref<320x64xf32, #tpu.memory_space<vmem>>, vector<1x16xf32>,
        %get3A_656 = vector.shape_cast %get3A_655 : vector<1x16xf32> to vector<16xf32>
        %add3A_657 = arith.addf %scan3A_630, %get3A_656 : vector<16xf32>
        scf.yield %add3A_636, %add3A_643, %add3A_650, %add3A_657 : vector<16xf32>, vector<16xf32>, vector<16xf32>, vector<16xf32>
      }
      %scan3A_377 = arith.constant 20 : i32
      %swap3A_378 = arith.index_cast %add3A_363 : i32 to index
      %swap3A_379 = arith.constant 0 : index
      %swap3A_380 = tpu.vector_load %arg7[%swap3A_378, %swap3A_379] {strides = array<i32>} : memref<128x128xf32, #tpu.memory_space<vmem>>, vector<1x16xf32>,
      %swap3A_381 = vector.shape_cast %swap3A_380 : vector<1x16xf32> to vector<16xf32>
      %swap3A_382 = vector.shape_cast %scan3A_376#0 : vector<16xf32> to vector<1x16xf32>
      tpu.vector_store %arg7[%swap3A_378, %swap3A_379], %swap3A_382 {strides = array<i32>} : memref<128x128xf32, #tpu.memory_space<vmem>>, vector<1x16xf32>,
      %swap3A_383 = arith.index_cast %add3A_363 : i32 to index
      %swap3A_384 = arith.constant 16 : index
      %swap3A_385 = tpu.vector_load %arg7[%swap3A_383, %swap3A_384] {strides = array<i32>} : memref<128x128xf32, #tpu.memory_space<vmem>>, vector<1x16xf32>,
      %swap3A_386 = vector.shape_cast %swap3A_385 : vector<1x16xf32> to vector<16xf32>
      %swap3A_387 = vector.shape_cast %scan3A_376#1 : vector<16xf32> to vector<1x16xf32>
      tpu.vector_store %arg7[%swap3A_383, %swap3A_384], %swap3A_387 {strides = array<i32>} : memref<128x128xf32, #tpu.memory_space<vmem>>, vector<1x16xf32>,
      %swap3A_388 = arith.index_cast %add3A_363 : i32 to index
      %swap3A_389 = arith.constant 32 : index
      %swap3A_390 = tpu.vector_load %arg7[%swap3A_388, %swap3A_389] {strides = array<i32>} : memref<128x128xf32, #tpu.memory_space<vmem>>, vector<1x16xf32>,
      %swap3A_391 = vector.shape_cast %swap3A_390 : vector<1x16xf32> to vector<16xf32>
      %swap3A_392 = vector.shape_cast %scan3A_376#2 : vector<16xf32> to vector<1x16xf32>
      tpu.vector_store %arg7[%swap3A_388, %swap3A_389], %swap3A_392 {strides = array<i32>} : memref<128x128xf32, #tpu.memory_space<vmem>>, vector<1x16xf32>,
      %swap3A_393 = arith.index_cast %add3A_363 : i32 to index
      %swap3A_394 = arith.constant 48 : index
      %swap3A_395 = tpu.vector_load %arg7[%swap3A_393, %swap3A_394] {strides = array<i32>} : memref<128x128xf32, #tpu.memory_space<vmem>>, vector<1x16xf32>,
      %swap3A_396 = vector.shape_cast %swap3A_395 : vector<1x16xf32> to vector<16xf32>
      %swap3A_397 = vector.shape_cast %scan3A_376#3 : vector<16xf32> to vector<1x16xf32>
      tpu.vector_store %arg7[%swap3A_393, %swap3A_394], %swap3A_397 {strides = array<i32>} : memref<128x128xf32, #tpu.memory_space<vmem>>, vector<1x16xf32>,
      %mul3A_398 = arith.constant 16 : i32
      %mul3A_399 = arith.muli %scan3A_12, %mul3A_398 : i32
      %add3A_400 = arith.constant 10 : i32
      %add3A_401 = arith.addi %mul3A_399, %add3A_400 : i32
      %broadcast_in_dim3A_402 = arith.constant 0.000000e+00 : f32
      %broadcast_in_dim3A_403 = vector.broadcast %broadcast_in_dim3A_402 : f32 to vector<16xf32>
      %broadcast_in_dim3A_404 = arith.constant 0.000000e+00 : f32
      %broadcast_in_dim3A_405 = vector.broadcast %broadcast_in_dim3A_404 : f32 to vector<16xf32>
      %broadcast_in_dim3A_406 = arith.constant 0.000000e+00 : f32
      %broadcast_in_dim3A_407 = vector.broadcast %broadcast_in_dim3A_406 : f32 to vector<16xf32>
      %broadcast_in_dim3A_408 = arith.constant 0.000000e+00 : f32
      %broadcast_in_dim3A_409 = vector.broadcast %broadcast_in_dim3A_408 : f32 to vector<16xf32>
      %scan3A_410 = arith.constant 0 : i32
      %scan3A_411 = arith.constant 20 : i32
      %scan3A_412 = arith.addi %scan3A_410, %scan3A_411 : i32
      %scan3A_413 = arith.constant 1 : i32
      %scan3A_414:4 = scf.for %scan3A_626 = %scan3A_410 to %scan3A_412 step %scan3A_413 iter_args(%scan3A_627 = %broadcast_in_dim3A_403, %scan3A_628 = %broadcast_in_dim3A_405, %scan3A_629 = %broadcast_in_dim3A_407, %scan3A_630 = %broadcast_in_dim3A_409) -> (vector<16xf32>, vector<16xf32>, vector<16xf32>, vector<16xf32>)  : i32 {
        %add3A_631 = arith.constant 200 : i32
        %add3A_632 = arith.addi %add3A_631, %scan3A_626 : i32
        %get3A = arith.index_cast %add3A_632 : i32 to index
        %get3A_633 = arith.constant 0 : index
        %get3A_634 = tpu.vector_load %arg6[%get3A, %get3A_633] {strides = array<i32>} : memref<320x64xf32, #tpu.memory_space<vmem>>, vector<1x16xf32>,
        %get3A_635 = vector.shape_cast %get3A_634 : vector<1x16xf32> to vector<16xf32>
        %add3A_636 = arith.addf %scan3A_627, %get3A_635 : vector<16xf32>
        %add3A_637 = arith.constant 200 : i32
        %add3A_638 = arith.addi %add3A_637, %scan3A_626 : i32
        %get3A_639 = arith.index_cast %add3A_638 : i32 to index
        %get3A_640 = arith.constant 16 : index
        %get3A_641 = tpu.vector_load %arg6[%get3A_639, %get3A_640] {strides = array<i32>} : memref<320x64xf32, #tpu.memory_space<vmem>>, vector<1x16xf32>,
        %get3A_642 = vector.shape_cast %get3A_641 : vector<1x16xf32> to vector<16xf32>
        %add3A_643 = arith.addf %scan3A_628, %get3A_642 : vector<16xf32>
        %add3A_644 = arith.constant 200 : i32
        %add3A_645 = arith.addi %add3A_644, %scan3A_626 : i32
        %get3A_646 = arith.index_cast %add3A_645 : i32 to index
        %get3A_647 = arith.constant 32 : index
        %get3A_648 = tpu.vector_load %arg6[%get3A_646, %get3A_647] {strides = array<i32>} : memref<320x64xf32, #tpu.memory_space<vmem>>, vector<1x16xf32>,
        %get3A_649 = vector.shape_cast %get3A_648 : vector<1x16xf32> to vector<16xf32>
        %add3A_650 = arith.addf %scan3A_629, %get3A_649 : vector<16xf32>
        %add3A_651 = arith.constant 200 : i32
        %add3A_652 = arith.addi %add3A_651, %scan3A_626 : i32
        %get3A_653 = arith.index_cast %add3A_652 : i32 to index
        %get3A_654 = arith.constant 48 : index
        %get3A_655 = tpu.vector_load %arg6[%get3A_653, %get3A_654] {strides = array<i32>} : memref<320x64xf32, #tpu.memory_space<vmem>>, vector<1x16xf32>,
        %get3A_656 = vector.shape_cast %get3A_655 : vector<1x16xf32> to vector<16xf32>
        %add3A_657 = arith.addf %scan3A_630, %get3A_656 : vector<16xf32>
        scf.yield %add3A_636, %add3A_643, %add3A_650, %add3A_657 : vector<16xf32>, vector<16xf32>, vector<16xf32>, vector<16xf32>
      }
      %scan3A_415 = arith.constant 20 : i32
      %swap3A_416 = arith.index_cast %add3A_401 : i32 to index
      %swap3A_417 = arith.constant 0 : index
      %swap3A_418 = tpu.vector_load %arg7[%swap3A_416, %swap3A_417] {strides = array<i32>} : memref<128x128xf32, #tpu.memory_space<vmem>>, vector<1x16xf32>,
      %swap3A_419 = vector.shape_cast %swap3A_418 : vector<1x16xf32> to vector<16xf32>
      %swap3A_420 = vector.shape_cast %scan3A_414#0 : vector<16xf32> to vector<1x16xf32>
      tpu.vector_store %arg7[%swap3A_416, %swap3A_417], %swap3A_420 {strides = array<i32>} : memref<128x128xf32, #tpu.memory_space<vmem>>, vector<1x16xf32>,
      %swap3A_421 = arith.index_cast %add3A_401 : i32 to index
      %swap3A_422 = arith.constant 16 : index
      %swap3A_423 = tpu.vector_load %arg7[%swap3A_421, %swap3A_422] {strides = array<i32>} : memref<128x128xf32, #tpu.memory_space<vmem>>, vector<1x16xf32>,
      %swap3A_424 = vector.shape_cast %swap3A_423 : vector<1x16xf32> to vector<16xf32>
      %swap3A_425 = vector.shape_cast %scan3A_414#1 : vector<16xf32> to vector<1x16xf32>
      tpu.vector_store %arg7[%swap3A_421, %swap3A_422], %swap3A_425 {strides = array<i32>} : memref<128x128xf32, #tpu.memory_space<vmem>>, vector<1x16xf32>,
      %swap3A_426 = arith.index_cast %add3A_401 : i32 to index
      %swap3A_427 = arith.constant 32 : index
      %swap3A_428 = tpu.vector_load %arg7[%swap3A_426, %swap3A_427] {strides = array<i32>} : memref<128x128xf32, #tpu.memory_space<vmem>>, vector<1x16xf32>,
      %swap3A_429 = vector.shape_cast %swap3A_428 : vector<1x16xf32> to vector<16xf32>
      %swap3A_430 = vector.shape_cast %scan3A_414#2 : vector<16xf32> to vector<1x16xf32>
      tpu.vector_store %arg7[%swap3A_426, %swap3A_427], %swap3A_430 {strides = array<i32>} : memref<128x128xf32, #tpu.memory_space<vmem>>, vector<1x16xf32>,
      %swap3A_431 = arith.index_cast %add3A_401 : i32 to index
      %swap3A_432 = arith.constant 48 : index
      %swap3A_433 = tpu.vector_load %arg7[%swap3A_431, %swap3A_432] {strides = array<i32>} : memref<128x128xf32, #tpu.memory_space<vmem>>, vector<1x16xf32>,
      %swap3A_434 = vector.shape_cast %swap3A_433 : vector<1x16xf32> to vector<16xf32>
      %swap3A_435 = vector.shape_cast %scan3A_414#3 : vector<16xf32> to vector<1x16xf32>
      tpu.vector_store %arg7[%swap3A_431, %swap3A_432], %swap3A_435 {strides = array<i32>} : memref<128x128xf32, #tpu.memory_space<vmem>>, vector<1x16xf32>,
      %mul3A_436 = arith.constant 16 : i32
      %mul3A_437 = arith.muli %scan3A_12, %mul3A_436 : i32
      %add3A_438 = arith.constant 11 : i32
      %add3A_439 = arith.addi %mul3A_437, %add3A_438 : i32
      %broadcast_in_dim3A_440 = arith.constant 0.000000e+00 : f32
      %broadcast_in_dim3A_441 = vector.broadcast %broadcast_in_dim3A_440 : f32 to vector<16xf32>
      %broadcast_in_dim3A_442 = arith.constant 0.000000e+00 : f32
      %broadcast_in_dim3A_443 = vector.broadcast %broadcast_in_dim3A_442 : f32 to vector<16xf32>
      %broadcast_in_dim3A_444 = arith.constant 0.000000e+00 : f32
      %broadcast_in_dim3A_445 = vector.broadcast %broadcast_in_dim3A_444 : f32 to vector<16xf32>
      %broadcast_in_dim3A_446 = arith.constant 0.000000e+00 : f32
      %broadcast_in_dim3A_447 = vector.broadcast %broadcast_in_dim3A_446 : f32 to vector<16xf32>
      %scan3A_448 = arith.constant 0 : i32
      %scan3A_449 = arith.constant 20 : i32
      %scan3A_450 = arith.addi %scan3A_448, %scan3A_449 : i32
      %scan3A_451 = arith.constant 1 : i32
      %scan3A_452:4 = scf.for %scan3A_626 = %scan3A_448 to %scan3A_450 step %scan3A_451 iter_args(%scan3A_627 = %broadcast_in_dim3A_441, %scan3A_628 = %broadcast_in_dim3A_443, %scan3A_629 = %broadcast_in_dim3A_445, %scan3A_630 = %broadcast_in_dim3A_447) -> (vector<16xf32>, vector<16xf32>, vector<16xf32>, vector<16xf32>)  : i32 {
        %add3A_631 = arith.constant 220 : i32
        %add3A_632 = arith.addi %add3A_631, %scan3A_626 : i32
        %get3A = arith.index_cast %add3A_632 : i32 to index
        %get3A_633 = arith.constant 0 : index
        %get3A_634 = tpu.vector_load %arg6[%get3A, %get3A_633] {strides = array<i32>} : memref<320x64xf32, #tpu.memory_space<vmem>>, vector<1x16xf32>,
        %get3A_635 = vector.shape_cast %get3A_634 : vector<1x16xf32> to vector<16xf32>
        %add3A_636 = arith.addf %scan3A_627, %get3A_635 : vector<16xf32>
        %add3A_637 = arith.constant 220 : i32
        %add3A_638 = arith.addi %add3A_637, %scan3A_626 : i32
        %get3A_639 = arith.index_cast %add3A_638 : i32 to index
        %get3A_640 = arith.constant 16 : index
        %get3A_641 = tpu.vector_load %arg6[%get3A_639, %get3A_640] {strides = array<i32>} : memref<320x64xf32, #tpu.memory_space<vmem>>, vector<1x16xf32>,
        %get3A_642 = vector.shape_cast %get3A_641 : vector<1x16xf32> to vector<16xf32>
        %add3A_643 = arith.addf %scan3A_628, %get3A_642 : vector<16xf32>
        %add3A_644 = arith.constant 220 : i32
        %add3A_645 = arith.addi %add3A_644, %scan3A_626 : i32
        %get3A_646 = arith.index_cast %add3A_645 : i32 to index
        %get3A_647 = arith.constant 32 : index
        %get3A_648 = tpu.vector_load %arg6[%get3A_646, %get3A_647] {strides = array<i32>} : memref<320x64xf32, #tpu.memory_space<vmem>>, vector<1x16xf32>,
        %get3A_649 = vector.shape_cast %get3A_648 : vector<1x16xf32> to vector<16xf32>
        %add3A_650 = arith.addf %scan3A_629, %get3A_649 : vector<16xf32>
        %add3A_651 = arith.constant 220 : i32
        %add3A_652 = arith.addi %add3A_651, %scan3A_626 : i32
        %get3A_653 = arith.index_cast %add3A_652 : i32 to index
        %get3A_654 = arith.constant 48 : index
        %get3A_655 = tpu.vector_load %arg6[%get3A_653, %get3A_654] {strides = array<i32>} : memref<320x64xf32, #tpu.memory_space<vmem>>, vector<1x16xf32>,
        %get3A_656 = vector.shape_cast %get3A_655 : vector<1x16xf32> to vector<16xf32>
        %add3A_657 = arith.addf %scan3A_630, %get3A_656 : vector<16xf32>
        scf.yield %add3A_636, %add3A_643, %add3A_650, %add3A_657 : vector<16xf32>, vector<16xf32>, vector<16xf32>, vector<16xf32>
      }
      %scan3A_453 = arith.constant 20 : i32
      %swap3A_454 = arith.index_cast %add3A_439 : i32 to index
      %swap3A_455 = arith.constant 0 : index
      %swap3A_456 = tpu.vector_load %arg7[%swap3A_454, %swap3A_455] {strides = array<i32>} : memref<128x128xf32, #tpu.memory_space<vmem>>, vector<1x16xf32>,
      %swap3A_457 = vector.shape_cast %swap3A_456 : vector<1x16xf32> to vector<16xf32>
      %swap3A_458 = vector.shape_cast %scan3A_452#0 : vector<16xf32> to vector<1x16xf32>
      tpu.vector_store %arg7[%swap3A_454, %swap3A_455], %swap3A_458 {strides = array<i32>} : memref<128x128xf32, #tpu.memory_space<vmem>>, vector<1x16xf32>,
      %swap3A_459 = arith.index_cast %add3A_439 : i32 to index
      %swap3A_460 = arith.constant 16 : index
      %swap3A_461 = tpu.vector_load %arg7[%swap3A_459, %swap3A_460] {strides = array<i32>} : memref<128x128xf32, #tpu.memory_space<vmem>>, vector<1x16xf32>,
      %swap3A_462 = vector.shape_cast %swap3A_461 : vector<1x16xf32> to vector<16xf32>
      %swap3A_463 = vector.shape_cast %scan3A_452#1 : vector<16xf32> to vector<1x16xf32>
      tpu.vector_store %arg7[%swap3A_459, %swap3A_460], %swap3A_463 {strides = array<i32>} : memref<128x128xf32, #tpu.memory_space<vmem>>, vector<1x16xf32>,
      %swap3A_464 = arith.index_cast %add3A_439 : i32 to index
      %swap3A_465 = arith.constant 32 : index
      %swap3A_466 = tpu.vector_load %arg7[%swap3A_464, %swap3A_465] {strides = array<i32>} : memref<128x128xf32, #tpu.memory_space<vmem>>, vector<1x16xf32>,
      %swap3A_467 = vector.shape_cast %swap3A_466 : vector<1x16xf32> to vector<16xf32>
      %swap3A_468 = vector.shape_cast %scan3A_452#2 : vector<16xf32> to vector<1x16xf32>
      tpu.vector_store %arg7[%swap3A_464, %swap3A_465], %swap3A_468 {strides = array<i32>} : memref<128x128xf32, #tpu.memory_space<vmem>>, vector<1x16xf32>,
      %swap3A_469 = arith.index_cast %add3A_439 : i32 to index
      %swap3A_470 = arith.constant 48 : index
      %swap3A_471 = tpu.vector_load %arg7[%swap3A_469, %swap3A_470] {strides = array<i32>} : memref<128x128xf32, #tpu.memory_space<vmem>>, vector<1x16xf32>,
      %swap3A_472 = vector.shape_cast %swap3A_471 : vector<1x16xf32> to vector<16xf32>
      %swap3A_473 = vector.shape_cast %scan3A_452#3 : vector<16xf32> to vector<1x16xf32>
      tpu.vector_store %arg7[%swap3A_469, %swap3A_470], %swap3A_473 {strides = array<i32>} : memref<128x128xf32, #tpu.memory_space<vmem>>, vector<1x16xf32>,
      %mul3A_474 = arith.constant 16 : i32
      %mul3A_475 = arith.muli %scan3A_12, %mul3A_474 : i32
      %add3A_476 = arith.constant 12 : i32
      %add3A_477 = arith.addi %mul3A_475, %add3A_476 : i32
      %broadcast_in_dim3A_478 = arith.constant 0.000000e+00 : f32
      %broadcast_in_dim3A_479 = vector.broadcast %broadcast_in_dim3A_478 : f32 to vector<16xf32>
      %broadcast_in_dim3A_480 = arith.constant 0.000000e+00 : f32
      %broadcast_in_dim3A_481 = vector.broadcast %broadcast_in_dim3A_480 : f32 to vector<16xf32>
      %broadcast_in_dim3A_482 = arith.constant 0.000000e+00 : f32
      %broadcast_in_dim3A_483 = vector.broadcast %broadcast_in_dim3A_482 : f32 to vector<16xf32>
      %broadcast_in_dim3A_484 = arith.constant 0.000000e+00 : f32
      %broadcast_in_dim3A_485 = vector.broadcast %broadcast_in_dim3A_484 : f32 to vector<16xf32>
      %scan3A_486 = arith.constant 0 : i32
      %scan3A_487 = arith.constant 20 : i32
      %scan3A_488 = arith.addi %scan3A_486, %scan3A_487 : i32
      %scan3A_489 = arith.constant 1 : i32
      %scan3A_490:4 = scf.for %scan3A_626 = %scan3A_486 to %scan3A_488 step %scan3A_489 iter_args(%scan3A_627 = %broadcast_in_dim3A_479, %scan3A_628 = %broadcast_in_dim3A_481, %scan3A_629 = %broadcast_in_dim3A_483, %scan3A_630 = %broadcast_in_dim3A_485) -> (vector<16xf32>, vector<16xf32>, vector<16xf32>, vector<16xf32>)  : i32 {
        %add3A_631 = arith.constant 240 : i32
        %add3A_632 = arith.addi %add3A_631, %scan3A_626 : i32
        %get3A = arith.index_cast %add3A_632 : i32 to index
        %get3A_633 = arith.constant 0 : index
        %get3A_634 = tpu.vector_load %arg6[%get3A, %get3A_633] {strides = array<i32>} : memref<320x64xf32, #tpu.memory_space<vmem>>, vector<1x16xf32>,
        %get3A_635 = vector.shape_cast %get3A_634 : vector<1x16xf32> to vector<16xf32>
        %add3A_636 = arith.addf %scan3A_627, %get3A_635 : vector<16xf32>
        %add3A_637 = arith.constant 240 : i32
        %add3A_638 = arith.addi %add3A_637, %scan3A_626 : i32
        %get3A_639 = arith.index_cast %add3A_638 : i32 to index
        %get3A_640 = arith.constant 16 : index
        %get3A_641 = tpu.vector_load %arg6[%get3A_639, %get3A_640] {strides = array<i32>} : memref<320x64xf32, #tpu.memory_space<vmem>>, vector<1x16xf32>,
        %get3A_642 = vector.shape_cast %get3A_641 : vector<1x16xf32> to vector<16xf32>
        %add3A_643 = arith.addf %scan3A_628, %get3A_642 : vector<16xf32>
        %add3A_644 = arith.constant 240 : i32
        %add3A_645 = arith.addi %add3A_644, %scan3A_626 : i32
        %get3A_646 = arith.index_cast %add3A_645 : i32 to index
        %get3A_647 = arith.constant 32 : index
        %get3A_648 = tpu.vector_load %arg6[%get3A_646, %get3A_647] {strides = array<i32>} : memref<320x64xf32, #tpu.memory_space<vmem>>, vector<1x16xf32>,
        %get3A_649 = vector.shape_cast %get3A_648 : vector<1x16xf32> to vector<16xf32>
        %add3A_650 = arith.addf %scan3A_629, %get3A_649 : vector<16xf32>
        %add3A_651 = arith.constant 240 : i32
        %add3A_652 = arith.addi %add3A_651, %scan3A_626 : i32
        %get3A_653 = arith.index_cast %add3A_652 : i32 to index
        %get3A_654 = arith.constant 48 : index
        %get3A_655 = tpu.vector_load %arg6[%get3A_653, %get3A_654] {strides = array<i32>} : memref<320x64xf32, #tpu.memory_space<vmem>>, vector<1x16xf32>,
        %get3A_656 = vector.shape_cast %get3A_655 : vector<1x16xf32> to vector<16xf32>
        %add3A_657 = arith.addf %scan3A_630, %get3A_656 : vector<16xf32>
        scf.yield %add3A_636, %add3A_643, %add3A_650, %add3A_657 : vector<16xf32>, vector<16xf32>, vector<16xf32>, vector<16xf32>
      }
      %scan3A_491 = arith.constant 20 : i32
      %swap3A_492 = arith.index_cast %add3A_477 : i32 to index
      %swap3A_493 = arith.constant 0 : index
      %swap3A_494 = tpu.vector_load %arg7[%swap3A_492, %swap3A_493] {strides = array<i32>} : memref<128x128xf32, #tpu.memory_space<vmem>>, vector<1x16xf32>,
      %swap3A_495 = vector.shape_cast %swap3A_494 : vector<1x16xf32> to vector<16xf32>
      %swap3A_496 = vector.shape_cast %scan3A_490#0 : vector<16xf32> to vector<1x16xf32>
      tpu.vector_store %arg7[%swap3A_492, %swap3A_493], %swap3A_496 {strides = array<i32>} : memref<128x128xf32, #tpu.memory_space<vmem>>, vector<1x16xf32>,
      %swap3A_497 = arith.index_cast %add3A_477 : i32 to index
      %swap3A_498 = arith.constant 16 : index
      %swap3A_499 = tpu.vector_load %arg7[%swap3A_497, %swap3A_498] {strides = array<i32>} : memref<128x128xf32, #tpu.memory_space<vmem>>, vector<1x16xf32>,
      %swap3A_500 = vector.shape_cast %swap3A_499 : vector<1x16xf32> to vector<16xf32>
      %swap3A_501 = vector.shape_cast %scan3A_490#1 : vector<16xf32> to vector<1x16xf32>
      tpu.vector_store %arg7[%swap3A_497, %swap3A_498], %swap3A_501 {strides = array<i32>} : memref<128x128xf32, #tpu.memory_space<vmem>>, vector<1x16xf32>,
      %swap3A_502 = arith.index_cast %add3A_477 : i32 to index
      %swap3A_503 = arith.constant 32 : index
      %swap3A_504 = tpu.vector_load %arg7[%swap3A_502, %swap3A_503] {strides = array<i32>} : memref<128x128xf32, #tpu.memory_space<vmem>>, vector<1x16xf32>,
      %swap3A_505 = vector.shape_cast %swap3A_504 : vector<1x16xf32> to vector<16xf32>
      %swap3A_506 = vector.shape_cast %scan3A_490#2 : vector<16xf32> to vector<1x16xf32>
      tpu.vector_store %arg7[%swap3A_502, %swap3A_503], %swap3A_506 {strides = array<i32>} : memref<128x128xf32, #tpu.memory_space<vmem>>, vector<1x16xf32>,
      %swap3A_507 = arith.index_cast %add3A_477 : i32 to index
      %swap3A_508 = arith.constant 48 : index
      %swap3A_509 = tpu.vector_load %arg7[%swap3A_507, %swap3A_508] {strides = array<i32>} : memref<128x128xf32, #tpu.memory_space<vmem>>, vector<1x16xf32>,
      %swap3A_510 = vector.shape_cast %swap3A_509 : vector<1x16xf32> to vector<16xf32>
      %swap3A_511 = vector.shape_cast %scan3A_490#3 : vector<16xf32> to vector<1x16xf32>
      tpu.vector_store %arg7[%swap3A_507, %swap3A_508], %swap3A_511 {strides = array<i32>} : memref<128x128xf32, #tpu.memory_space<vmem>>, vector<1x16xf32>,
      %mul3A_512 = arith.constant 16 : i32
      %mul3A_513 = arith.muli %scan3A_12, %mul3A_512 : i32
      %add3A_514 = arith.constant 13 : i32
      %add3A_515 = arith.addi %mul3A_513, %add3A_514 : i32
      %broadcast_in_dim3A_516 = arith.constant 0.000000e+00 : f32
      %broadcast_in_dim3A_517 = vector.broadcast %broadcast_in_dim3A_516 : f32 to vector<16xf32>
      %broadcast_in_dim3A_518 = arith.constant 0.000000e+00 : f32
      %broadcast_in_dim3A_519 = vector.broadcast %broadcast_in_dim3A_518 : f32 to vector<16xf32>
      %broadcast_in_dim3A_520 = arith.constant 0.000000e+00 : f32
      %broadcast_in_dim3A_521 = vector.broadcast %broadcast_in_dim3A_520 : f32 to vector<16xf32>
      %broadcast_in_dim3A_522 = arith.constant 0.000000e+00 : f32
      %broadcast_in_dim3A_523 = vector.broadcast %broadcast_in_dim3A_522 : f32 to vector<16xf32>
      %scan3A_524 = arith.constant 0 : i32
      %scan3A_525 = arith.constant 20 : i32
      %scan3A_526 = arith.addi %scan3A_524, %scan3A_525 : i32
      %scan3A_527 = arith.constant 1 : i32
      %scan3A_528:4 = scf.for %scan3A_626 = %scan3A_524 to %scan3A_526 step %scan3A_527 iter_args(%scan3A_627 = %broadcast_in_dim3A_517, %scan3A_628 = %broadcast_in_dim3A_519, %scan3A_629 = %broadcast_in_dim3A_521, %scan3A_630 = %broadcast_in_dim3A_523) -> (vector<16xf32>, vector<16xf32>, vector<16xf32>, vector<16xf32>)  : i32 {
        %add3A_631 = arith.constant 260 : i32
        %add3A_632 = arith.addi %add3A_631, %scan3A_626 : i32
        %get3A = arith.index_cast %add3A_632 : i32 to index
        %get3A_633 = arith.constant 0 : index
        %get3A_634 = tpu.vector_load %arg6[%get3A, %get3A_633] {strides = array<i32>} : memref<320x64xf32, #tpu.memory_space<vmem>>, vector<1x16xf32>,
        %get3A_635 = vector.shape_cast %get3A_634 : vector<1x16xf32> to vector<16xf32>
        %add3A_636 = arith.addf %scan3A_627, %get3A_635 : vector<16xf32>
        %add3A_637 = arith.constant 260 : i32
        %add3A_638 = arith.addi %add3A_637, %scan3A_626 : i32
        %get3A_639 = arith.index_cast %add3A_638 : i32 to index
        %get3A_640 = arith.constant 16 : index
        %get3A_641 = tpu.vector_load %arg6[%get3A_639, %get3A_640] {strides = array<i32>} : memref<320x64xf32, #tpu.memory_space<vmem>>, vector<1x16xf32>,
        %get3A_642 = vector.shape_cast %get3A_641 : vector<1x16xf32> to vector<16xf32>
        %add3A_643 = arith.addf %scan3A_628, %get3A_642 : vector<16xf32>
        %add3A_644 = arith.constant 260 : i32
        %add3A_645 = arith.addi %add3A_644, %scan3A_626 : i32
        %get3A_646 = arith.index_cast %add3A_645 : i32 to index
        %get3A_647 = arith.constant 32 : index
        %get3A_648 = tpu.vector_load %arg6[%get3A_646, %get3A_647] {strides = array<i32>} : memref<320x64xf32, #tpu.memory_space<vmem>>, vector<1x16xf32>,
        %get3A_649 = vector.shape_cast %get3A_648 : vector<1x16xf32> to vector<16xf32>
        %add3A_650 = arith.addf %scan3A_629, %get3A_649 : vector<16xf32>
        %add3A_651 = arith.constant 260 : i32
        %add3A_652 = arith.addi %add3A_651, %scan3A_626 : i32
        %get3A_653 = arith.index_cast %add3A_652 : i32 to index
        %get3A_654 = arith.constant 48 : index
        %get3A_655 = tpu.vector_load %arg6[%get3A_653, %get3A_654] {strides = array<i32>} : memref<320x64xf32, #tpu.memory_space<vmem>>, vector<1x16xf32>,
        %get3A_656 = vector.shape_cast %get3A_655 : vector<1x16xf32> to vector<16xf32>
        %add3A_657 = arith.addf %scan3A_630, %get3A_656 : vector<16xf32>
        scf.yield %add3A_636, %add3A_643, %add3A_650, %add3A_657 : vector<16xf32>, vector<16xf32>, vector<16xf32>, vector<16xf32>
      }
      %scan3A_529 = arith.constant 20 : i32
      %swap3A_530 = arith.index_cast %add3A_515 : i32 to index
      %swap3A_531 = arith.constant 0 : index
      %swap3A_532 = tpu.vector_load %arg7[%swap3A_530, %swap3A_531] {strides = array<i32>} : memref<128x128xf32, #tpu.memory_space<vmem>>, vector<1x16xf32>,
      %swap3A_533 = vector.shape_cast %swap3A_532 : vector<1x16xf32> to vector<16xf32>
      %swap3A_534 = vector.shape_cast %scan3A_528#0 : vector<16xf32> to vector<1x16xf32>
      tpu.vector_store %arg7[%swap3A_530, %swap3A_531], %swap3A_534 {strides = array<i32>} : memref<128x128xf32, #tpu.memory_space<vmem>>, vector<1x16xf32>,
      %swap3A_535 = arith.index_cast %add3A_515 : i32 to index
      %swap3A_536 = arith.constant 16 : index
      %swap3A_537 = tpu.vector_load %arg7[%swap3A_535, %swap3A_536] {strides = array<i32>} : memref<128x128xf32, #tpu.memory_space<vmem>>, vector<1x16xf32>,
      %swap3A_538 = vector.shape_cast %swap3A_537 : vector<1x16xf32> to vector<16xf32>
      %swap3A_539 = vector.shape_cast %scan3A_528#1 : vector<16xf32> to vector<1x16xf32>
      tpu.vector_store %arg7[%swap3A_535, %swap3A_536], %swap3A_539 {strides = array<i32>} : memref<128x128xf32, #tpu.memory_space<vmem>>, vector<1x16xf32>,
      %swap3A_540 = arith.index_cast %add3A_515 : i32 to index
      %swap3A_541 = arith.constant 32 : index
      %swap3A_542 = tpu.vector_load %arg7[%swap3A_540, %swap3A_541] {strides = array<i32>} : memref<128x128xf32, #tpu.memory_space<vmem>>, vector<1x16xf32>,
      %swap3A_543 = vector.shape_cast %swap3A_542 : vector<1x16xf32> to vector<16xf32>
      %swap3A_544 = vector.shape_cast %scan3A_528#2 : vector<16xf32> to vector<1x16xf32>
      tpu.vector_store %arg7[%swap3A_540, %swap3A_541], %swap3A_544 {strides = array<i32>} : memref<128x128xf32, #tpu.memory_space<vmem>>, vector<1x16xf32>,
      %swap3A_545 = arith.index_cast %add3A_515 : i32 to index
      %swap3A_546 = arith.constant 48 : index
      %swap3A_547 = tpu.vector_load %arg7[%swap3A_545, %swap3A_546] {strides = array<i32>} : memref<128x128xf32, #tpu.memory_space<vmem>>, vector<1x16xf32>,
      %swap3A_548 = vector.shape_cast %swap3A_547 : vector<1x16xf32> to vector<16xf32>
      %swap3A_549 = vector.shape_cast %scan3A_528#3 : vector<16xf32> to vector<1x16xf32>
      tpu.vector_store %arg7[%swap3A_545, %swap3A_546], %swap3A_549 {strides = array<i32>} : memref<128x128xf32, #tpu.memory_space<vmem>>, vector<1x16xf32>,
      %mul3A_550 = arith.constant 16 : i32
      %mul3A_551 = arith.muli %scan3A_12, %mul3A_550 : i32
      %add3A_552 = arith.constant 14 : i32
      %add3A_553 = arith.addi %mul3A_551, %add3A_552 : i32
      %broadcast_in_dim3A_554 = arith.constant 0.000000e+00 : f32
      %broadcast_in_dim3A_555 = vector.broadcast %broadcast_in_dim3A_554 : f32 to vector<16xf32>
      %broadcast_in_dim3A_556 = arith.constant 0.000000e+00 : f32
      %broadcast_in_dim3A_557 = vector.broadcast %broadcast_in_dim3A_556 : f32 to vector<16xf32>
      %broadcast_in_dim3A_558 = arith.constant 0.000000e+00 : f32
      %broadcast_in_dim3A_559 = vector.broadcast %broadcast_in_dim3A_558 : f32 to vector<16xf32>
      %broadcast_in_dim3A_560 = arith.constant 0.000000e+00 : f32
      %broadcast_in_dim3A_561 = vector.broadcast %broadcast_in_dim3A_560 : f32 to vector<16xf32>
      %scan3A_562 = arith.constant 0 : i32
      %scan3A_563 = arith.constant 20 : i32
      %scan3A_564 = arith.addi %scan3A_562, %scan3A_563 : i32
      %scan3A_565 = arith.constant 1 : i32
      %scan3A_566:4 = scf.for %scan3A_626 = %scan3A_562 to %scan3A_564 step %scan3A_565 iter_args(%scan3A_627 = %broadcast_in_dim3A_555, %scan3A_628 = %broadcast_in_dim3A_557, %scan3A_629 = %broadcast_in_dim3A_559, %scan3A_630 = %broadcast_in_dim3A_561) -> (vector<16xf32>, vector<16xf32>, vector<16xf32>, vector<16xf32>)  : i32 {
        %add3A_631 = arith.constant 280 : i32
        %add3A_632 = arith.addi %add3A_631, %scan3A_626 : i32
        %get3A = arith.index_cast %add3A_632 : i32 to index
        %get3A_633 = arith.constant 0 : index
        %get3A_634 = tpu.vector_load %arg6[%get3A, %get3A_633] {strides = array<i32>} : memref<320x64xf32, #tpu.memory_space<vmem>>, vector<1x16xf32>,
        %get3A_635 = vector.shape_cast %get3A_634 : vector<1x16xf32> to vector<16xf32>
        %add3A_636 = arith.addf %scan3A_627, %get3A_635 : vector<16xf32>
        %add3A_637 = arith.constant 280 : i32
        %add3A_638 = arith.addi %add3A_637, %scan3A_626 : i32
        %get3A_639 = arith.index_cast %add3A_638 : i32 to index
        %get3A_640 = arith.constant 16 : index
        %get3A_641 = tpu.vector_load %arg6[%get3A_639, %get3A_640] {strides = array<i32>} : memref<320x64xf32, #tpu.memory_space<vmem>>, vector<1x16xf32>,
        %get3A_642 = vector.shape_cast %get3A_641 : vector<1x16xf32> to vector<16xf32>
        %add3A_643 = arith.addf %scan3A_628, %get3A_642 : vector<16xf32>
        %add3A_644 = arith.constant 280 : i32
        %add3A_645 = arith.addi %add3A_644, %scan3A_626 : i32
        %get3A_646 = arith.index_cast %add3A_645 : i32 to index
        %get3A_647 = arith.constant 32 : index
        %get3A_648 = tpu.vector_load %arg6[%get3A_646, %get3A_647] {strides = array<i32>} : memref<320x64xf32, #tpu.memory_space<vmem>>, vector<1x16xf32>,
        %get3A_649 = vector.shape_cast %get3A_648 : vector<1x16xf32> to vector<16xf32>
        %add3A_650 = arith.addf %scan3A_629, %get3A_649 : vector<16xf32>
        %add3A_651 = arith.constant 280 : i32
        %add3A_652 = arith.addi %add3A_651, %scan3A_626 : i32
        %get3A_653 = arith.index_cast %add3A_652 : i32 to index
        %get3A_654 = arith.constant 48 : index
        %get3A_655 = tpu.vector_load %arg6[%get3A_653, %get3A_654] {strides = array<i32>} : memref<320x64xf32, #tpu.memory_space<vmem>>, vector<1x16xf32>,
        %get3A_656 = vector.shape_cast %get3A_655 : vector<1x16xf32> to vector<16xf32>
        %add3A_657 = arith.addf %scan3A_630, %get3A_656 : vector<16xf32>
        scf.yield %add3A_636, %add3A_643, %add3A_650, %add3A_657 : vector<16xf32>, vector<16xf32>, vector<16xf32>, vector<16xf32>
      }
      %scan3A_567 = arith.constant 20 : i32
      %swap3A_568 = arith.index_cast %add3A_553 : i32 to index
      %swap3A_569 = arith.constant 0 : index
      %swap3A_570 = tpu.vector_load %arg7[%swap3A_568, %swap3A_569] {strides = array<i32>} : memref<128x128xf32, #tpu.memory_space<vmem>>, vector<1x16xf32>,
      %swap3A_571 = vector.shape_cast %swap3A_570 : vector<1x16xf32> to vector<16xf32>
      %swap3A_572 = vector.shape_cast %scan3A_566#0 : vector<16xf32> to vector<1x16xf32>
      tpu.vector_store %arg7[%swap3A_568, %swap3A_569], %swap3A_572 {strides = array<i32>} : memref<128x128xf32, #tpu.memory_space<vmem>>, vector<1x16xf32>,
      %swap3A_573 = arith.index_cast %add3A_553 : i32 to index
      %swap3A_574 = arith.constant 16 : index
      %swap3A_575 = tpu.vector_load %arg7[%swap3A_573, %swap3A_574] {strides = array<i32>} : memref<128x128xf32, #tpu.memory_space<vmem>>, vector<1x16xf32>,
      %swap3A_576 = vector.shape_cast %swap3A_575 : vector<1x16xf32> to vector<16xf32>
      %swap3A_577 = vector.shape_cast %scan3A_566#1 : vector<16xf32> to vector<1x16xf32>
      tpu.vector_store %arg7[%swap3A_573, %swap3A_574], %swap3A_577 {strides = array<i32>} : memref<128x128xf32, #tpu.memory_space<vmem>>, vector<1x16xf32>,
      %swap3A_578 = arith.index_cast %add3A_553 : i32 to index
      %swap3A_579 = arith.constant 32 : index
      %swap3A_580 = tpu.vector_load %arg7[%swap3A_578, %swap3A_579] {strides = array<i32>} : memref<128x128xf32, #tpu.memory_space<vmem>>, vector<1x16xf32>,
      %swap3A_581 = vector.shape_cast %swap3A_580 : vector<1x16xf32> to vector<16xf32>
      %swap3A_582 = vector.shape_cast %scan3A_566#2 : vector<16xf32> to vector<1x16xf32>
      tpu.vector_store %arg7[%swap3A_578, %swap3A_579], %swap3A_582 {strides = array<i32>} : memref<128x128xf32, #tpu.memory_space<vmem>>, vector<1x16xf32>,
      %swap3A_583 = arith.index_cast %add3A_553 : i32 to index
      %swap3A_584 = arith.constant 48 : index
      %swap3A_585 = tpu.vector_load %arg7[%swap3A_583, %swap3A_584] {strides = array<i32>} : memref<128x128xf32, #tpu.memory_space<vmem>>, vector<1x16xf32>,
      %swap3A_586 = vector.shape_cast %swap3A_585 : vector<1x16xf32> to vector<16xf32>
      %swap3A_587 = vector.shape_cast %scan3A_566#3 : vector<16xf32> to vector<1x16xf32>
      tpu.vector_store %arg7[%swap3A_583, %swap3A_584], %swap3A_587 {strides = array<i32>} : memref<128x128xf32, #tpu.memory_space<vmem>>, vector<1x16xf32>,
      %mul3A_588 = arith.constant 16 : i32
      %mul3A_589 = arith.muli %scan3A_12, %mul3A_588 : i32
      %add3A_590 = arith.constant 15 : i32
      %add3A_591 = arith.addi %mul3A_589, %add3A_590 : i32
      %broadcast_in_dim3A_592 = arith.constant 0.000000e+00 : f32
      %broadcast_in_dim3A_593 = vector.broadcast %broadcast_in_dim3A_592 : f32 to vector<16xf32>
      %broadcast_in_dim3A_594 = arith.constant 0.000000e+00 : f32
      %broadcast_in_dim3A_595 = vector.broadcast %broadcast_in_dim3A_594 : f32 to vector<16xf32>
      %broadcast_in_dim3A_596 = arith.constant 0.000000e+00 : f32
      %broadcast_in_dim3A_597 = vector.broadcast %broadcast_in_dim3A_596 : f32 to vector<16xf32>
      %broadcast_in_dim3A_598 = arith.constant 0.000000e+00 : f32
      %broadcast_in_dim3A_599 = vector.broadcast %broadcast_in_dim3A_598 : f32 to vector<16xf32>
      %scan3A_600 = arith.constant 0 : i32
      %scan3A_601 = arith.constant 20 : i32
      %scan3A_602 = arith.addi %scan3A_600, %scan3A_601 : i32
      %scan3A_603 = arith.constant 1 : i32
      %scan3A_604:4 = scf.for %scan3A_626 = %scan3A_600 to %scan3A_602 step %scan3A_603 iter_args(%scan3A_627 = %broadcast_in_dim3A_593, %scan3A_628 = %broadcast_in_dim3A_595, %scan3A_629 = %broadcast_in_dim3A_597, %scan3A_630 = %broadcast_in_dim3A_599) -> (vector<16xf32>, vector<16xf32>, vector<16xf32>, vector<16xf32>)  : i32 {
        %add3A_631 = arith.constant 300 : i32
        %add3A_632 = arith.addi %add3A_631, %scan3A_626 : i32
        %get3A = arith.index_cast %add3A_632 : i32 to index
        %get3A_633 = arith.constant 0 : index
        %get3A_634 = tpu.vector_load %arg6[%get3A, %get3A_633] {strides = array<i32>} : memref<320x64xf32, #tpu.memory_space<vmem>>, vector<1x16xf32>,
        %get3A_635 = vector.shape_cast %get3A_634 : vector<1x16xf32> to vector<16xf32>
        %add3A_636 = arith.addf %scan3A_627, %get3A_635 : vector<16xf32>
        %add3A_637 = arith.constant 300 : i32
        %add3A_638 = arith.addi %add3A_637, %scan3A_626 : i32
        %get3A_639 = arith.index_cast %add3A_638 : i32 to index
        %get3A_640 = arith.constant 16 : index
        %get3A_641 = tpu.vector_load %arg6[%get3A_639, %get3A_640] {strides = array<i32>} : memref<320x64xf32, #tpu.memory_space<vmem>>, vector<1x16xf32>,
        %get3A_642 = vector.shape_cast %get3A_641 : vector<1x16xf32> to vector<16xf32>
        %add3A_643 = arith.addf %scan3A_628, %get3A_642 : vector<16xf32>
        %add3A_644 = arith.constant 300 : i32
        %add3A_645 = arith.addi %add3A_644, %scan3A_626 : i32
        %get3A_646 = arith.index_cast %add3A_645 : i32 to index
        %get3A_647 = arith.constant 32 : index
        %get3A_648 = tpu.vector_load %arg6[%get3A_646, %get3A_647] {strides = array<i32>} : memref<320x64xf32, #tpu.memory_space<vmem>>, vector<1x16xf32>,
        %get3A_649 = vector.shape_cast %get3A_648 : vector<1x16xf32> to vector<16xf32>
        %add3A_650 = arith.addf %scan3A_629, %get3A_649 : vector<16xf32>
        %add3A_651 = arith.constant 300 : i32
        %add3A_652 = arith.addi %add3A_651, %scan3A_626 : i32
        %get3A_653 = arith.index_cast %add3A_652 : i32 to index
        %get3A_654 = arith.constant 48 : index
        %get3A_655 = tpu.vector_load %arg6[%get3A_653, %get3A_654] {strides = array<i32>} : memref<320x64xf32, #tpu.memory_space<vmem>>, vector<1x16xf32>,
        %get3A_656 = vector.shape_cast %get3A_655 : vector<1x16xf32> to vector<16xf32>
        %add3A_657 = arith.addf %scan3A_630, %get3A_656 : vector<16xf32>
        scf.yield %add3A_636, %add3A_643, %add3A_650, %add3A_657 : vector<16xf32>, vector<16xf32>, vector<16xf32>, vector<16xf32>
      }
      %scan3A_605 = arith.constant 20 : i32
      %swap3A_606 = arith.index_cast %add3A_591 : i32 to index
      %swap3A_607 = arith.constant 0 : index
      %swap3A_608 = tpu.vector_load %arg7[%swap3A_606, %swap3A_607] {strides = array<i32>} : memref<128x128xf32, #tpu.memory_space<vmem>>, vector<1x16xf32>,
      %swap3A_609 = vector.shape_cast %swap3A_608 : vector<1x16xf32> to vector<16xf32>
      %swap3A_610 = vector.shape_cast %scan3A_604#0 : vector<16xf32> to vector<1x16xf32>
      tpu.vector_store %arg7[%swap3A_606, %swap3A_607], %swap3A_610 {strides = array<i32>} : memref<128x128xf32, #tpu.memory_space<vmem>>, vector<1x16xf32>,
      %swap3A_611 = arith.index_cast %add3A_591 : i32 to index
      %swap3A_612 = arith.constant 16 : index
      %swap3A_613 = tpu.vector_load %arg7[%swap3A_611, %swap3A_612] {strides = array<i32>} : memref<128x128xf32, #tpu.memory_space<vmem>>, vector<1x16xf32>,
      %swap3A_614 = vector.shape_cast %swap3A_613 : vector<1x16xf32> to vector<16xf32>
      %swap3A_615 = vector.shape_cast %scan3A_604#1 : vector<16xf32> to vector<1x16xf32>
      tpu.vector_store %arg7[%swap3A_611, %swap3A_612], %swap3A_615 {strides = array<i32>} : memref<128x128xf32, #tpu.memory_space<vmem>>, vector<1x16xf32>,
      %swap3A_616 = arith.index_cast %add3A_591 : i32 to index
      %swap3A_617 = arith.constant 32 : index
      %swap3A_618 = tpu.vector_load %arg7[%swap3A_616, %swap3A_617] {strides = array<i32>} : memref<128x128xf32, #tpu.memory_space<vmem>>, vector<1x16xf32>,
      %swap3A_619 = vector.shape_cast %swap3A_618 : vector<1x16xf32> to vector<16xf32>
      %swap3A_620 = vector.shape_cast %scan3A_604#2 : vector<16xf32> to vector<1x16xf32>
      tpu.vector_store %arg7[%swap3A_616, %swap3A_617], %swap3A_620 {strides = array<i32>} : memref<128x128xf32, #tpu.memory_space<vmem>>, vector<1x16xf32>,
      %swap3A_621 = arith.index_cast %add3A_591 : i32 to index
      %swap3A_622 = arith.constant 48 : index
      %swap3A_623 = tpu.vector_load %arg7[%swap3A_621, %swap3A_622] {strides = array<i32>} : memref<128x128xf32, #tpu.memory_space<vmem>>, vector<1x16xf32>,
      %swap3A_624 = vector.shape_cast %swap3A_623 : vector<1x16xf32> to vector<16xf32>
      %swap3A_625 = vector.shape_cast %scan3A_604#3 : vector<16xf32> to vector<1x16xf32>
      tpu.vector_store %arg7[%swap3A_621, %swap3A_622], %swap3A_625 {strides = array<i32>} : memref<128x128xf32, #tpu.memory_space<vmem>>, vector<1x16xf32>,
    }
    %scan3A_9 = arith.constant 8 : i32
    %mul3A_10 = arith.constant 128 : i32
    %mul3A_11 = arith.muli %add3A, %mul3A_10 : i32
    "tpu.region"() ({
      %run_scoped3A = tpu.sem_alloc : memref<!tpu.dma_semaphore, #tpu.memory_space<semaphore_mem>>
      %dma_start3A = arith.constant 0 : i32
      %dma_start3A_12 = tpu.memref_slice %arg4[%mul3A_11, %dma_start3A] : memref<4096x128xf32, #tpu.memory_space<hbm>> -> memref<128x128xf32, #tpu.memory_space<hbm>>
      %dma_start3A_13 = arith.constant 0 : i32
      %dma_start3A_14 = tpu.memref_slice %arg4[%mul3A_11, %dma_start3A_13] : memref<4096x128xf32, #tpu.memory_space<hbm>> -> memref<128x128xf32, #tpu.memory_space<hbm>>
      tpu.enqueue_dma source(%arg7 : memref<128x128xf32, #tpu.memory_space<vmem>>) target(%dma_start3A_14 : memref<128x128xf32, #tpu.memory_space<hbm>>) target_semaphore(%run_scoped3A : memref<!tpu.dma_semaphore, #tpu.memory_space<semaphore_mem>>)
      %dma_wait3A = arith.constant 0 : i32
      %dma_wait3A_15 = tpu.memref_slice %arg4[%mul3A_11, %dma_wait3A] : memref<4096x128xf32, #tpu.memory_space<hbm>> -> memref<128x128xf32, #tpu.memory_space<hbm>>
      %dma_wait3A_16 = arith.constant 0 : i32
      %dma_wait3A_17 = tpu.memref_slice %arg4[%mul3A_11, %dma_wait3A_16] : memref<4096x128xf32, #tpu.memory_space<hbm>> -> memref<128x128xf32, #tpu.memory_space<hbm>>
      tpu.wait_dma2 semaphore(%run_scoped3A : memref<!tpu.dma_semaphore, #tpu.memory_space<semaphore_mem>>) src(%arg7 : memref<128x128xf32, #tpu.memory_space<vmem>>) dst(%dma_wait3A_17 : memref<128x128xf32, #tpu.memory_space<hbm>>)
      tpu.yield
    }) : () -> ()
    return
  }
}

module attributes {stable_mosaic.version = 14 : i64} {
  func.func @_epilogue_body(%arg0: memref<4096x128xf32, #tpu.memory_space<vmem>>, %arg1: memref<4096x128xf32, #tpu.memory_space<vmem>>, %arg2: memref<4096xf32, #tpu.memory_space<vmem>>) attributes {dimension_semantics = [], scalar_prefetch = 0 : i64, scratch_operands = 0 : i64, tpu.core_type = #tpu.core_type<tc>} {
    %get3A = arith.constant 0 : index
    %get3A_0 = arith.constant 0 : index
    %get3A_1 = vector.load %arg0[%get3A, %get3A_0] : memref<4096x128xf32, #tpu.memory_space<vmem>>, vector<4096x64xf32>
    %mul3A = arith.constant 5.000000e-02 : f32
    %mul3A_2 = vector.broadcast %mul3A : f32 to vector<4096x64xf32>
    %mul3A_3 = arith.mulf %get3A_1, %mul3A_2 : vector<4096x64xf32>
    %tanh3A = math.tanh %mul3A_3 : vector<4096x64xf32>
    %get3A_4 = arith.constant 0 : index
    %get3A_5 = arith.constant 0 : index
    %get3A_6 = vector.load %arg1[%get3A_4, %get3A_5] : memref<4096x128xf32, #tpu.memory_space<vmem>>, vector<4096x64xf32>
    %mul3A_7 = arith.constant 5.000000e-03 : f32
    %mul3A_8 = vector.broadcast %mul3A_7 : f32 to vector<4096x64xf32>
    %mul3A_9 = arith.mulf %get3A_6, %mul3A_8 : vector<4096x64xf32>
    %tanh3A_10 = math.tanh %mul3A_9 : vector<4096x64xf32>
    %mul3A_11 = arith.mulf %tanh3A, %tanh3A : vector<4096x64xf32>
    %reduce_sum3A = arith.constant dense<0.000000e+00> : vector<4096xf32>
    %reduce_sum3A_12 = vector.multi_reduction <add>, %mul3A_11, %reduce_sum3A [1] : vector<4096x64xf32> to vector<4096xf32>
    %broadcast_in_dim3A = vector.shape_cast %reduce_sum3A_12 : vector<4096xf32> to vector<4096x1xf32>
    %sqrt3A = math.sqrt %broadcast_in_dim3A : vector<4096x1xf32>
    %mul3A_13 = arith.mulf %tanh3A_10, %tanh3A_10 : vector<4096x64xf32>
    %reduce_sum3A_14 = arith.constant dense<0.000000e+00> : vector<4096xf32>
    %reduce_sum3A_15 = vector.multi_reduction <add>, %mul3A_13, %reduce_sum3A_14 [1] : vector<4096x64xf32> to vector<4096xf32>
    %broadcast_in_dim3A_16 = vector.shape_cast %reduce_sum3A_15 : vector<4096xf32> to vector<4096x1xf32>
    %sqrt3A_17 = math.sqrt %broadcast_in_dim3A_16 : vector<4096x1xf32>
    %max3A = arith.constant 9.99999996E-13 : f32
    %max3A_18 = vector.broadcast %max3A : f32 to vector<4096x1xf32>
    %max3A_19 = arith.maximumf %sqrt3A, %max3A_18 : vector<4096x1xf32>
    %div3A = vector.broadcast %max3A_19 : vector<4096x1xf32> to vector<4096x64xf32>
    %div3A_20 = arith.divf %tanh3A, %div3A : vector<4096x64xf32>
    %max3A_21 = arith.constant 9.99999996E-13 : f32
    %max3A_22 = vector.broadcast %max3A_21 : f32 to vector<4096x1xf32>
    %max3A_23 = arith.maximumf %sqrt3A_17, %max3A_22 : vector<4096x1xf32>
    %div3A_24 = vector.broadcast %max3A_23 : vector<4096x1xf32> to vector<4096x64xf32>
    %div3A_25 = arith.divf %tanh3A_10, %div3A_24 : vector<4096x64xf32>
    %mul3A_26 = arith.mulf %div3A_20, %div3A_25 : vector<4096x64xf32>
    %reduce_sum3A_27 = arith.constant dense<0.000000e+00> : vector<4096xf32>
    %reduce_sum3A_28 = vector.multi_reduction <add>, %mul3A_26, %reduce_sum3A_27 [1] : vector<4096x64xf32> to vector<4096xf32>
    %swap3A = arith.constant 0 : index
    %swap3A_29 = vector.load %arg2[%swap3A] : memref<4096xf32, #tpu.memory_space<vmem>>, vector<4096xf32>
    tpu.vector_store %arg2[%swap3A], %reduce_sum3A_28 {strides = array<i32>} : memref<4096xf32, #tpu.memory_space<vmem>>, vector<4096xf32>,
    return
  }
}

</mosaic_0001>

<sc_bundles>
// kernel: kernel.5.cloned.1.call-start
scs
__scs_entry_jumppad:
0x0: {  	(pc) =	sbr.rel $0x88, $3  }
0x1: {  	(tag) =	ssettag $0x0;
	lr =	simm.s32 $0x1  }
0x2: {  	[smem:$0x3F9D] =	sst lr;
	_ =	strace $0xD0000000  }
0x3: {  	_ = 	snop  }
0x4: {  	_ = 	snop  }
0x5: {  	_ = 	snop  }
0x6: {  	_ = 	snop  }
0x7: {  	_ = 	snop  }
__scs_overlays_trampoline_lowered:
0x8: {  	[smem:$0x3FAC] =	sst s0  }
0x9: {  	[smem:$0x3FAD] =	sst s1  }
0xa: {  	[smem:$0x3FAE] =	sst s2  }
0xb: {  	[smem:$0x3FAF] =	sst s3  }
0xc: {  	[smem:$0x3FB0] =	sst s4  }
0xd: {  	[smem:$0x3FB1] =	sst s5  }
0xe: {  	[smem:$0x3FB2] =	sst s6  }
0xf: {  	[smem:$0x3FB3] =	sst s7  }
0x10: {  	[smem:$0x3FB4] =	sst s8  }
0x11: {  	[smem:$0x3FB5] =	sst s9;
	s0 =	simm.s32 @!p0 $0x0  }
0x12: {  	s1 =	sld [smem:$0x3F9B];
	s0 =	simm.s32 @p0 $0x1  }
0x13: {  	[smem:$0x3FB6] =	sst s0;
	s0 =	simm.s32 @!p1 $0x0  }
0x14: {  	s2 =	sld [smem:$0x3F9A];
	s0 =	simm.s32 @p1 $0x1  }
0x15: {  	[smem:$0x3FB7] =	sst s0;
	s0 =	simm.s32 @!p2 $0x0  }
0x16: {  	s3 =	sld [smem:$0x3FDB];
	s0 =	simm.s32 @p2 $0x1  }
0x17: {  	s4 =	simm.s32 $0x1BF5;
	[smem:$0x3FB9] =	sst s0  }
0x18: {  	s0 =	sld [smem:$0x3F9C];
	_ =	swait.ge [sflag:s4], $0x0  }
0x19: {  	s7 =	sld [smem:$0x3F9D]  }
0x1a: {  	s8 =	sadd.s32 $0xFFFFE003, lr  }
0x1b: {  	s9 =	sadd.s32 $0xFFFFFEF7, lr;
	s5 =	simm.s32 $0xFFFFFFFF;
	p2 =	slt.u32 s8, $0xFFFFF086  }
0x1c: {  	p1 =	slt.u32 s9, $0xF7A;
	s5 =	simm.s32 @!p2 $0x0  }
0x1d: {  	s5 =	simm.s32 @p1 $0x1;
	p0 =	seq.s32 s7, s2  }
0x1e: {  	s7 =	smul.u32 @!p0 $0xF7A, s2;
	p2 =	seq.s32 @!p0 s5, $0x0  }
0x1f: {  	s9 =	smul.u32 $0xF7A, s1;
	s8 =	simm.s32 @!p0 $0x1BF5;
	p2 =	por !p2, p0  }
0x20: {  	[sflag:s8] =	ssyncset.s32 @!p0 $0xFFFFF086;
	s6 =	sadd.s32 @!p0 s3, s7;
	s7 =	simm.s32 @!p0 $0x108  }
0x21: {  	s3 =	sadd.s32 s3, s9;
	s6 =	sadd.s32 @!p0 $0x88, s6;
	s7 =	simm.s32 @p2 $0x1082  }
0x22: {  	[simem:s7], [sflag:s8] =	dma.local @!p0 [hbm:s6], $0xF7A  }
0x23: {  	s9 =	sor.u32 $0xD0000000, s2;
	s6 =	simm.s32 $0x108;
	_ =	swait.ge @!p0 [sflag:s8], $0x0  }
0x24: {  	s3 =	sadd.s32 $0x88, s3;
	s6 =	simm.s32 @!p1 $0x1082;
	[sflag:s4] =	ssyncset.s32 $0xFFFFF086  }
0x25: {  	[simem:s6], [sflag:s4] =	dma.local [hbm:s3], $0xF7A  }
0x26: {  	[smem:$0x3F9D] =	sst s1;
	(tag) =	ssettag s2;
	_ =	strace s9  }
0x27: {  	s1 =	sld [smem:$0x3FAD]  }
0x28: {  	s2 =	sld [smem:$0x3FAE]  }
0x29: {  	s4 =	sld [smem:$0x3FB0]  }
0x2a: {  	p0 =	seq.s32 s5, $0x0;
	s5 =	sld [smem:$0x3FB1]  }
0x2b: {  	s6 =	sld [smem:$0x3FB2]  }
0x2c: {  	s7 =	sld [smem:$0x3FB3]  }
0x2d: {  	s3 =	simm.s32 $0x108;
	s8 =	sld [smem:$0x3FB4]  }
0x2e: {  	s3 =	simm.s32 @!p0 $0x1082;
	s9 =	sld [smem:$0x3FB5]  }
0x2f: {  	lr =	sadd.s32 s0, s3;
	s0 =	sld [smem:$0x3FAC]  }
0x30: {  	s3 =	sld [smem:$0x3FAF]  }
0x31: {  	[smem:$0x3FB8] =	sst s10  }
0x32: {  	s10 =	sld [smem:$0x3FB6];
	_ =	sdelay $0x3  }
0x33: {  	p0 =	seq.s32 s10, $0x1;
	s10 =	sld [smem:$0x3FB8];
	_ =	sdelay $0x3  }
0x34: {  	[smem:$0x3FB8] =	sst s10  }
0x35: {  	s10 =	sld [smem:$0x3FB7];
	_ =	sdelay $0x3  }
0x36: {  	p1 =	seq.s32 s10, $0x1;
	s10 =	sld [smem:$0x3FB8];
	_ =	sdelay $0x3  }
0x37: {  	[smem:$0x3FB8] =	sst s10  }
0x38: {  	s10 =	sld [smem:$0x3FB9]  }
0x39: {  	_ = 	snop;
	(pc) =	sbr.ind lr, $3  }
0x3a: {  	_ = 	snop  }
0x3b: {  	_ = 	snop  }
0x3c: {  	p2 =	seq.s32 s10, $0x1;
	s10 =	sld [smem:$0x3FB8]  }
0x3d: {  	_ =	shalt  }
0x3e: {  	_ =	shalt  }
0x3f: {  	_ =	shalt  }
0x40: {  	_ =	shalt  }
0x41: {  	_ =	shalt  }
0x42: {  	_ =	shalt  }
0x43: {  	_ =	shalt  }
0x44: {  	_ =	shalt  }
0x45: {  	_ =	shalt  }
0x46: {  	_ =	shalt  }
0x47: {  	_ =	shalt  }
0x48: {  	_ =	shalt  }
0x49: {  	_ =	shalt  }
0x4a: {  	_ =	shalt  }
0x4b: {  	_ =	shalt  }
0x4c: {  	_ =	shalt  }
0x4d: {  	_ =	shalt  }
0x4e: {  	_ =	shalt  }
0x4f: {  	_ =	shalt  }
0x50: {  	_ =	shalt  }
0x51: {  	_ =	shalt  }
0x52: {  	_ =	shalt  }
0x53: {  	_ =	shalt  }
0x54: {  	_ =	shalt  }
0x55: {  	_ =	shalt  }
0x56: {  	_ =	shalt  }
0x57: {  	_ =	shalt  }
0x58: {  	_ =	shalt  }
0x59: {  	_ =	shalt  }
0x5a: {  	_ =	shalt  }
0x5b: {  	_ =	shalt  }
0x5c: {  	_ =	shalt  }
0x5d: {  	_ =	shalt  }
0x5e: {  	_ =	shalt  }
0x5f: {  	_ =	shalt  }
0x60: {  	_ =	shalt  }
0x61: {  	_ =	shalt  }
0x62: {  	_ =	shalt  }
0x63: {  	_ =	shalt  }
0x64: {  	_ =	shalt  }
0x65: {  	_ =	shalt  }
0x66: {  	_ =	shalt  }
0x67: {  	_ =	shalt  }
0x68: {  	_ =	shalt  }
0x69: {  	_ =	shalt  }
0x6a: {  	_ =	shalt  }
0x6b: {  	_ =	shalt  }
0x6c: {  	_ =	shalt  }
0x6d: {  	_ =	shalt  }
0x6e: {  	_ =	shalt  }
0x6f: {  	_ =	shalt  }
0x70: {  	_ =	shalt  }
0x71: {  	_ =	shalt  }
0x72: {  	_ =	shalt  }
0x73: {  	_ =	shalt  }
0x74: {  	_ =	shalt  }
0x75: {  	_ =	shalt  }
0x76: {  	_ =	shalt  }
0x77: {  	_ =	shalt  }
0x78: {  	_ =	shalt  }
0x79: {  	_ =	shalt  }
0x7a: {  	_ =	shalt  }
0x7b: {  	_ =	shalt  }
0x7c: {  	_ =	shalt  }
0x7d: {  	_ =	shalt  }
0x7e: {  	_ =	shalt  }
0x7f: {  	_ =	shalt  }
0x80: {  	_ =	shalt  }
0x81: {  	_ =	shalt  }
0x82: {  	_ =	shalt  }
0x83: {  	_ =	shalt  }
0x84: {  	_ =	shalt  }
0x85: {  	_ =	shalt  }
0x86: {  	_ =	shalt  }
0x87: {  	_ =	shalt  }
.Lfunc_end0:
.L_simem_size_0:
called_computation_lowered:
.L_overlay_start_0:
0x88: {  	s2 =	sld [smem:$0x3FD9]  }
0x89: {  	s3 =	sld [smem:$0x3FFE];
	_ =	sdelay $0x1  }
0x8a: {  	s1 =	srdreg.scid  }
0x8b: {  	s0 =	sand.u32 $0x1, s1  }
0x8c: {  	s17 =	sshll.u32 s0, $0xA;
	s2 =	sadd.s32 s3, s2  }
0x8d: {  	s2 =	sadd.s32 s2, s17  }
0x8e: {  	[smem:$0x3FC4] =	sst s2  }
0x8f: {  	_ = 	snop  }
0x90: {  	(tm) =	ssettm $0x1  }
0x91: {  	s18 =	sld [smem:$0x3FFB];
	_ =	sdelay $0x3  }
0x92: {  	_ =	strace s18  }
0x93: {  	s2 =	sld [smem:$0x3FFC];
	_ =	sdelay $0x3  }
0x94: {  	_ =	strace s2  }
0x95: {  	s2 =	sld [smem:$0x3FFD];
	_ =	sdelay $0x3  }
0x96: {  	_ =	strace s2  }
0x97: {  	_ =	strace $0x8FFFFFFF  }
0x98: {  	s19 =	sld [smem:$0x3FDB];
	_ =	sdelay $0x1  }
0x99: {  	s20 =	simm.s32 $_scs_section_size  }
0x9a: {  	s4 =	simm.s32 $_size__tile_overlayer_lowered;
	s5 =	simm.s32 $_tile_overlayer_lowered  }
0x9b: {  	s6 =	simm.s32 $0x1BFF;
	s21 =	sshll.u32 s5, $0x1;
	s3 =	sadd.s32 s20, s19  }
0x9c: {  	s22 =	simm.s32 $0x0;
	s4 =	sshll.u32 s4, $0x1;
	s5 =	sadd.s32 s21, s3  }
0x9d: {  	[timem:s22], [sflag:s6] =	dma.local [hbm:s5], s4  }
0x9e: {  	_ =	swait.ge [sflag:s6], s4  }
0x9f: {  	s4 =	ssub.s32 $0x0, s4;
	[sflag:s6] =	ssyncset.done $0x0  }
0xa0: {  	[sflag:s6] =	ssyncadd.s32 s4;
	_ =	sdelay $0x1  }
0xa1: {  	s23 =	simm.s32 $0x1B8B  }
0xa2: {  	_ =	swait.ge [sflag:s23], $0x1  }
0xa3: {  	[sflag:s23] =	ssyncset.done $0x0  }
0xa4: {  	[sflag:s23] =	ssyncadd.s32 $0xFFFFFFFF  }
0xa5: {  	s4 =	sld [smem:$0x0]  }
0xa6: {  	s5 =	sand.u32 $0xFFFFFFFE, s1  }
0xa7: {  	p0 =	sne.s32 s1, s5  }
0xa8: {  	s5 =	sshll.u32 @p0 s5, $0xE  }
0xa9: {  	s5 =	sadd.s32 @p0 $0x11B8D, s5;
	s6 =	sshll.u32 @p0 s4, $0x11  }
0xaa: {  	s5 =	sor.u32 @p0 s6, s5  }
0xab: {  	[sflag:s5] =	ssyncadd.remote.s32 @p0 $0x1;
	_ =	sdelay $0x1  }
0xac: {  	s5 =	simm.s32 @p0 $0x1B8D  }
0xad: {  	_ =	swait.eq @p0 [sflag:s5], $0x1  }
0xae: {  	[sflag:s5] =	ssyncadd.s32 @p0 $0xFFFFFFFF  }
0xaf: {  	s6 =	sshll.u32 @!p0 s1, $0xE  }
0xb0: {  	s6 =	sor.u32 @!p0 $0x4000, s6;
	s5 =	simm.s32 @!p0 $0x1B8D  }
0xb1: {  	s4 =	sshll.u32 @!p0 s4, $0x11;
	s6 =	sadd.s32 @!p0 $0x11B8D, s6;
	_ =	swait.eq @!p0 [sflag:s5], $0x1  }
0xb2: {  	s4 =	sor.u32 @!p0 s4, s6;
	[sflag:s5] =	ssyncadd.s32 @!p0 $0xFFFFFFFF  }
0xb3: {  	s25 =	simm.s32 $0x1B8E;
	s24 =	sld [smem:$0x3FFE];
	[sflag:s4] =	ssyncadd.remote.s32 @!p0 $0x1  }
0xb4: {  	s26 =	simm.s32 $execute0_lowered;
	[smem:$0x3FD2] =	sst s25  }
0xb5: {  	s5 =	sshll.u32 s26, $0x1;
	_ =	strace $0x80000049;
	[dreg:$0x1] =	wrdreg $0xFFFFFFFF  }
0xb6: {  	s28 =	simm.s32 $_size_execute0_lowered;
	s3 =	sadd.s32 s3, s5;
	[dreg:$0x0] =	wrdreg $0x0  }
0xb7: {  	s5 =	sshll.u32 s28, $0x1;
	[dreg:$0x2] =	wrdreg s3  }
0xb8: {  	[dreg:$0x3] =	wrdreg s5  }
0xb9: {  	[dreg:$0x4] =	wrdreg $0xC0  }
0xba: {  	_ =	task [dreg:s22], $0x5FFFF  }
0xbb: {  	[dreg:$0x1] =	wrdreg $0xFFFFFFFF  }
0xbc: {  	[dreg:$0x0] =	wrdreg $0x60  }
0xbd: {  	[dreg:$0x2] =	wrdreg s24  }
0xbe: {  	[dreg:$0x3] =	wrdreg $0x9  }
0xbf: {  	_ =	task.clear_ibuf [dreg:s22], $0x4FFFF;
	_ =	strace $0x90000049  }
0xc0: {  	s29 =	simm.s32 $0x9;
	_ =	strace $0x8000004B  }
0xc1: {  	_ =	swait.ge [sflag:s29], $0x1  }
0xc2: {  	[sflag:s29] =	ssyncadd.s32 $0xFFFFFFFF  }
0xc3: {  	_ =	strace $0x9000004B  }
0xc4: {  	_ =	sfence  }
0xc5: {  	s30 =	sld [smem:$0x0];
	_ =	sdelay $0x2  }
0xc6: {  	s31 =	sshll.u32 s1, $0xD;
	s1 =	sshrl.u32 s1, $0x2  }
0xc7: {  	s4 =	sand.u32 $0x4000, s31;
	s1 =	sadd.s32 s1, s30  }
0xc8: {  	s0 =	sor.u32 s4, s0;
	s1 =	sshll.u32 s1, $0x11  }
0xc9: {  	s0 =	sor.u32 s1, s0  }
0xca: {  	s0 =	sadd.s32 $0x8F2B, s0  }
0xcb: {  	[sflag:s0] =	ssyncadd.remote.s32 $0x1  }
0xcc: {  	_ =	sfence.sel $0xFFFF  }
0xcd: {  	[dreg:$0x0] =	wrdreg $0xFFFFFFFF;
	(pc) =	sbr.abs _section_cstart, $3  }
0xce: {  	[dreg:$0x1] =	wrdreg $0xFFFFFFFF  }
0xcf: {  	_ =	task.clear_ibuf [dreg:s22], $0x2FFFF;
	_ =	strace $0x9FFFFFFF  }
0xd0: {  	(tm) =	ssettm $0x7FFFFFFF  }
0xd1: {  	_ =	shalt  }
tec
execute0_lowered:
.L_overlay_start_1:
0x0: {  	(tag) =	ssettag $0x1  }
0x1: {  	s5 =	rddreg [dreg:$0x0]  }
0x2: {  	s0 =	rddreg [dreg:$0x1];
	s2 =	simm.s32 $0x0;
	s3 =	srdreg.scid  }
0x3: {  	s1 =	stileid.u32;
	s9 =	simm.s32 $0x140;
	s10 =	simm.s32 $0x1  }
0x4: {  	s11 =	simm.s32 $0x5140;
	s12 =	simm.s32 $0x0;
	[smem:$0x7FF] =	sst s2  }
0x5: {  	s4 =	sand.u32 $0x1, s3;
	s30 =	sshll.u32 s1, $0x1;
	s3 =	sadd.s32 $0x7CB200, s5  }
0x6: {  	_ =	strace $0x8000004A;
	s6 =	sor.u32 s4, s30;
	s8 =	ssub.s32 $0x2, s4  }
0x7: {  	s4 =	sadd.s32 $0x2A000, s5;
	s7 =	sshll.u32 s6, $0xB;
	s31 =	sshrl.u32 s8, $0x1  }
0x8: {  	s7 =	sadd.s32 s7, s5;
	s8 =	ssub.s32 s8, s31;
	s5 =	smul.u32 $0xA00, s6  }
0x9: {  	s6 =	sadd.s32 $0x7CDA00, s7;
	s7 =	smax.u32 s8, $0x1;
	s8 =	simm.s32 $0x2  }
.LBB2_1:
0xa: {  	s13 =	simm.s32 $0x0  }
.LBB2_2:
0xb: {  	s14 =	smul.u32 $0x140, s13;
	_ =	sdelay $0x1  }
0xc: {  	s14 =	sadd.s32 s5, s14  }
0xd: {  	s14 =	sshrl.u32 s14, $0x3  }
0xe: {  	s15 =	simm.s32 $0x0;
	s14 =	sadd.s32 s3, s14  }
0xf: {  	[tilespmem:s15], [sflag:$0x2] =	stream.linear.gather [hbm4b:s14+s15], $0x140, $0x38;
	[tilespmem:$0x9140] =	vst v63  }
0x10: {  	_ =	swait.ge [sflag:s8], $0x140  }
0x11: {  	[sflag:s8] =	ssyncset.done $0x0  }
0x12: {  	[sflag:s8] =	ssyncadd.s32 $0xFFFFFEC0  }
0x13: {  	[tilespmem:s9], [sflag:$0x1] =	stream.indirect.gather [hbm4b:s4+s9], $0x40, s15, s9, $0xb8;
	[tilespmem:$0x9140] =	vst v63  }
0x14: {  	_ =	swait.ge [sflag:s10], $0x5000  }
0x15: {  	[sflag:s10] =	ssyncset.done $0x0  }
0x16: {  	s31 =	simm.s32 $0x0;
	[sflag:s10] =	ssyncadd.s32 $0xFFFFB000  }
0x17: {  	v1 =	vld [tilespmem:s31+$0x170]  }
0x18: {  	v2 =	vld [tilespmem:s31+$0x140]  }
0x19: {  	v0 =	vimm.f32 $0.0e+00;
	v3 =	vld [tilespmem:s31+$0x150]  }
0x1a: {  	v7 =	vimm.f32 $0.0e+00;
	v6 =	vimm.f32 $0.0e+00;
	v5 =	vimm.f32 $0.0e+00;
	s14 =	simm.s32 $0x100;
	v4 =	vld [tilespmem:s31+$0x160]  }
.LBB2_3:
0x1b: {  	p0 =	sne.s32 s14, $0x1300  }
.Ltmp0:
0x1c: {  	s15 =	sshra.s32 s14, $0x2;
	s14 =	sadd.s32 $0x100, s14;
	v0 =	vadd.f32 v1, v0;
	(pc) =	sbr.rel @p0 .LBB2_3-.Ltmp0, $4  }
0x1d: {  	v1 =	vld [tilespmem:s15+$0x170];
	v7 =	vadd.f32 v2, v7  }
0x1e: {  	v2 =	vld [tilespmem:s15+$0x140];
	v6 =	vadd.f32 v3, v6  }
0x1f: {  	v3 =	vld [tilespmem:s15+$0x150];
	v5 =	vadd.f32 v4, v5  }
0x20: {  	v4 =	vld [tilespmem:s15+$0x160]  }
0x21: {  	_ = 	snop  }
0x22: {  	s14 =	sshll.u32 s13, $0xB;
	v0 =	vadd.f32 v1, v0  }
0x23: {  	s14 =	sand.u32 $0x3FFFF800, s14;
	v2 =	vadd.f32 v2, v7  }
0x24: {  	v3 =	vadd.f32 v3, v6;
	[tilespmem:s14+$0x5170] =	vst v0  }
0x25: {  	v4 =	vadd.f32 v4, v5;
	[tilespmem:s14+$0x5140] =	vst v2  }
0x26: {  	[tilespmem:s14+$0x5150] =	vst v3  }
0x27: {  	s16 =	simm.s32 $0x0;
	[tilespmem:s14+$0x5160] =	vst v4  }
0x28: {  	v1 =	vld [tilespmem:s16+$0x670]  }
0x29: {  	v2 =	vld [tilespmem:s16+$0x640]  }
0x2a: {  	v7 =	vimm.f32 $0.0e+00;
	v3 =	vld [tilespmem:s16+$0x650]  }
0x2b: {  	s15 =	simm.s32 $0x100;
	v0 =	vimm.f32 $0.0e+00;
	v6 =	vimm.f32 $0.0e+00;
	v5 =	vimm.f32 $0.0e+00;
	v4 =	vld [tilespmem:s16+$0x660]  }
.LBB2_5:
0x2c: {  	p0 =	sne.s32 s15, $0x1300  }
.Ltmp1:
0x2d: {  	s16 =	sshra.s32 s15, $0x2;
	s15 =	sadd.s32 $0x100, s15;
	v0 =	vadd.f32 v1, v0;
	(pc) =	sbr.rel @p0 .LBB2_5-.Ltmp1, $4  }
0x2e: {  	v1 =	vld [tilespmem:s16+$0x670];
	v5 =	vadd.f32 v2, v5  }
0x2f: {  	v2 =	vld [tilespmem:s16+$0x640];
	v6 =	vadd.f32 v3, v6  }
0x30: {  	v3 =	vld [tilespmem:s16+$0x650];
	v7 =	vadd.f32 v4, v7  }
0x31: {  	v4 =	vld [tilespmem:s16+$0x660]  }
0x32: {  	_ = 	snop  }
0x33: {  	v0 =	vadd.f32 v1, v0  }
0x34: {  	v2 =	vadd.f32 v2, v5  }
0x35: {  	v3 =	vadd.f32 v3, v6;
	[tilespmem:s14+$0x51F0] =	vst v0  }
0x36: {  	v4 =	vadd.f32 v4, v7;
	[tilespmem:s14+$0x51C0] =	vst v2  }
0x37: {  	[tilespmem:s14+$0x51D0] =	vst v3  }
0x38: {  	s16 =	simm.s32 $0x0;
	[tilespmem:s14+$0x51E0] =	vst v4  }
0x39: {  	v1 =	vld [tilespmem:s16+$0xB70]  }
0x3a: {  	v2 =	vld [tilespmem:s16+$0xB40]  }
0x3b: {  	v5 =	vimm.f32 $0.0e+00;
	v3 =	vld [tilespmem:s16+$0xB50]  }
0x3c: {  	s15 =	simm.s32 $0x100;
	v0 =	vimm.f32 $0.0e+00;
	v6 =	vimm.f32 $0.0e+00;
	v7 =	vimm.f32 $0.0e+00;
	v4 =	vld [tilespmem:s16+$0xB60]  }
.LBB2_7:
0x3d: {  	p0 =	sne.s32 s15, $0x1300  }
.Ltmp2:
0x3e: {  	s16 =	sshra.s32 s15, $0x2;
	s15 =	sadd.s32 $0x100, s15;
	v0 =	vadd.f32 v1, v0;
	(pc) =	sbr.rel @p0 .LBB2_7-.Ltmp2, $4  }
0x3f: {  	v1 =	vld [tilespmem:s16+$0xB70];
	v5 =	vadd.f32 v2, v5  }
0x40: {  	v2 =	vld [tilespmem:s16+$0xB40];
	v6 =	vadd.f32 v3, v6  }
0x41: {  	v3 =	vld [tilespmem:s16+$0xB50];
	v7 =	vadd.f32 v4, v7  }
0x42: {  	v4 =	vld [tilespmem:s16+$0xB60]  }
0x43: {  	_ = 	snop  }
0x44: {  	v0 =	vadd.f32 v1, v0  }
0x45: {  	v2 =	vadd.f32 v2, v5  }
0x46: {  	v3 =	vadd.f32 v3, v6;
	[tilespmem:s14+$0x5270] =	vst v0  }
0x47: {  	v4 =	vadd.f32 v4, v7;
	[tilespmem:s14+$0x5240] =	vst v2  }
0x48: {  	[tilespmem:s14+$0x5250] =	vst v3  }
0x49: {  	s16 =	simm.s32 $0x0;
	[tilespmem:s14+$0x5260] =	vst v4  }
0x4a: {  	v1 =	vld [tilespmem:s16+$0x1070]  }
0x4b: {  	v2 =	vld [tilespmem:s16+$0x1040]  }
0x4c: {  	v5 =	vimm.f32 $0.0e+00;
	v3 =	vld [tilespmem:s16+$0x1050]  }
0x4d: {  	s15 =	simm.s32 $0x100;
	v0 =	vimm.f32 $0.0e+00;
	v6 =	vimm.f32 $0.0e+00;
	v7 =	vimm.f32 $0.0e+00;
	v4 =	vld [tilespmem:s16+$0x1060]  }
.LBB2_9:
0x4e: {  	p0 =	sne.s32 s15, $0x1300  }
.Ltmp3:
0x4f: {  	s16 =	sshra.s32 s15, $0x2;
	s15 =	sadd.s32 $0x100, s15;
	v0 =	vadd.f32 v1, v0;
	(pc) =	sbr.rel @p0 .LBB2_9-.Ltmp3, $4  }
0x50: {  	v1 =	vld [tilespmem:s16+$0x1070];
	v5 =	vadd.f32 v2, v5  }
0x51: {  	v2 =	vld [tilespmem:s16+$0x1040];
	v6 =	vadd.f32 v3, v6  }
0x52: {  	v3 =	vld [tilespmem:s16+$0x1050];
	v7 =	vadd.f32 v4, v7  }
0x53: {  	v4 =	vld [tilespmem:s16+$0x1060]  }
0x54: {  	_ = 	snop  }
0x55: {  	v0 =	vadd.f32 v1, v0  }
0x56: {  	v2 =	vadd.f32 v2, v5  }
0x57: {  	v3 =	vadd.f32 v3, v6;
	[tilespmem:s14+$0x52F0] =	vst v0  }
0x58: {  	v4 =	vadd.f32 v4, v7;
	[tilespmem:s14+$0x52C0] =	vst v2  }
0x59: {  	[tilespmem:s14+$0x52D0] =	vst v3  }
0x5a: {  	s16 =	simm.s32 $0x0;
	[tilespmem:s14+$0x52E0] =	vst v4  }
0x5b: {  	v1 =	vld [tilespmem:s16+$0x1570]  }
0x5c: {  	v2 =	vld [tilespmem:s16+$0x1540]  }
0x5d: {  	v5 =	vimm.f32 $0.0e+00;
	v3 =	vld [tilespmem:s16+$0x1550]  }
0x5e: {  	s15 =	simm.s32 $0x100;
	v0 =	vimm.f32 $0.0e+00;
	v6 =	vimm.f32 $0.0e+00;
	v7 =	vimm.f32 $0.0e+00;
	v4 =	vld [tilespmem:s16+$0x1560]  }
.LBB2_11:
0x5f: {  	p0 =	sne.s32 s15, $0x1300  }
.Ltmp4:
0x60: {  	s16 =	sshra.s32 s15, $0x2;
	s15 =	sadd.s32 $0x100, s15;
	v0 =	vadd.f32 v1, v0;
	(pc) =	sbr.rel @p0 .LBB2_11-.Ltmp4, $4  }
0x61: {  	v1 =	vld [tilespmem:s16+$0x1570];
	v5 =	vadd.f32 v2, v5  }
0x62: {  	v2 =	vld [tilespmem:s16+$0x1540];
	v6 =	vadd.f32 v3, v6  }
0x63: {  	v3 =	vld [tilespmem:s16+$0x1550];
	v7 =	vadd.f32 v4, v7  }
0x64: {  	v4 =	vld [tilespmem:s16+$0x1560]  }
0x65: {  	_ = 	snop  }
0x66: {  	v0 =	vadd.f32 v1, v0  }
0x67: {  	v2 =	vadd.f32 v2, v5  }
0x68: {  	v3 =	vadd.f32 v3, v6;
	[tilespmem:s14+$0x5370] =	vst v0  }
0x69: {  	v4 =	vadd.f32 v4, v7;
	[tilespmem:s14+$0x5340] =	vst v2  }
0x6a: {  	[tilespmem:s14+$0x5350] =	vst v3  }
0x6b: {  	s16 =	simm.s32 $0x0;
	[tilespmem:s14+$0x5360] =	vst v4  }
0x6c: {  	v1 =	vld [tilespmem:s16+$0x1A70]  }
0x6d: {  	v2 =	vld [tilespmem:s16+$0x1A40]  }
0x6e: {  	v5 =	vimm.f32 $0.0e+00;
	v3 =	vld [tilespmem:s16+$0x1A50]  }
0x6f: {  	s15 =	simm.s32 $0x100;
	v0 =	vimm.f32 $0.0e+00;
	v6 =	vimm.f32 $0.0e+00;
	v7 =	vimm.f32 $0.0e+00;
	v4 =	vld [tilespmem:s16+$0x1A60]  }
.LBB2_13:
0x70: {  	p0 =	sne.s32 s15, $0x1300  }
.Ltmp5:
0x71: {  	s16 =	sshra.s32 s15, $0x2;
	s15 =	sadd.s32 $0x100, s15;
	v0 =	vadd.f32 v1, v0;
	(pc) =	sbr.rel @p0 .LBB2_13-.Ltmp5, $4  }
0x72: {  	v1 =	vld [tilespmem:s16+$0x1A70];
	v5 =	vadd.f32 v2, v5  }
0x73: {  	v2 =	vld [tilespmem:s16+$0x1A40];
	v6 =	vadd.f32 v3, v6  }
0x74: {  	v3 =	vld [tilespmem:s16+$0x1A50];
	v7 =	vadd.f32 v4, v7  }
0x75: {  	v4 =	vld [tilespmem:s16+$0x1A60]  }
0x76: {  	_ = 	snop  }
0x77: {  	v0 =	vadd.f32 v1, v0  }
0x78: {  	v2 =	vadd.f32 v2, v5  }
0x79: {  	v3 =	vadd.f32 v3, v6;
	[tilespmem:s14+$0x53F0] =	vst v0  }
0x7a: {  	v4 =	vadd.f32 v4, v7;
	[tilespmem:s14+$0x53C0] =	vst v2  }
0x7b: {  	[tilespmem:s14+$0x53D0] =	vst v3  }
0x7c: {  	s16 =	simm.s32 $0x0;
	[tilespmem:s14+$0x53E0] =	vst v4  }
0x7d: {  	v1 =	vld [tilespmem:s16+$0x1F70]  }
0x7e: {  	v2 =	vld [tilespmem:s16+$0x1F40]  }
0x7f: {  	v5 =	vimm.f32 $0.0e+00;
	v3 =	vld [tilespmem:s16+$0x1F50]  }
0x80: {  	s15 =	simm.s32 $0x100;
	v0 =	vimm.f32 $0.0e+00;
	v6 =	vimm.f32 $0.0e+00;
	v7 =	vimm.f32 $0.0e+00;
	v4 =	vld [tilespmem:s16+$0x1F60]  }
.LBB2_15:
0x81: {  	p0 =	sne.s32 s15, $0x1300  }
.Ltmp6:
0x82: {  	s16 =	sshra.s32 s15, $0x2;
	s15 =	sadd.s32 $0x100, s15;
	v0 =	vadd.f32 v1, v0;
	(pc) =	sbr.rel @p0 .LBB2_15-.Ltmp6, $4  }
0x83: {  	v1 =	vld [tilespmem:s16+$0x1F70];
	v5 =	vadd.f32 v2, v5  }
0x84: {  	v2 =	vld [tilespmem:s16+$0x1F40];
	v6 =	vadd.f32 v3, v6  }
0x85: {  	v3 =	vld [tilespmem:s16+$0x1F50];
	v7 =	vadd.f32 v4, v7  }
0x86: {  	v4 =	vld [tilespmem:s16+$0x1F60]  }
0x87: {  	_ = 	snop  }
0x88: {  	v0 =	vadd.f32 v1, v0  }
0x89: {  	v2 =	vadd.f32 v2, v5  }
0x8a: {  	v3 =	vadd.f32 v3, v6;
	[tilespmem:s14+$0x5470] =	vst v0  }
0x8b: {  	v4 =	vadd.f32 v4, v7;
	[tilespmem:s14+$0x5440] =	vst v2  }
0x8c: {  	[tilespmem:s14+$0x5450] =	vst v3  }
0x8d: {  	s16 =	simm.s32 $0x0;
	[tilespmem:s14+$0x5460] =	vst v4  }
0x8e: {  	v1 =	vld [tilespmem:s16+$0x2470]  }
0x8f: {  	v2 =	vld [tilespmem:s16+$0x2440]  }
0x90: {  	v5 =	vimm.f32 $0.0e+00;
	v3 =	vld [tilespmem:s16+$0x2450]  }
0x91: {  	s15 =	simm.s32 $0x100;
	v0 =	vimm.f32 $0.0e+00;
	v6 =	vimm.f32 $0.0e+00;
	v7 =	vimm.f32 $0.0e+00;
	v4 =	vld [tilespmem:s16+$0x2460]  }
.LBB2_17:
0x92: {  	p0 =	sne.s32 s15, $0x1300  }
.Ltmp7:
0x93: {  	s16 =	sshra.s32 s15, $0x2;
	s15 =	sadd.s32 $0x100, s15;
	v0 =	vadd.f32 v1, v0;
	(pc) =	sbr.rel @p0 .LBB2_17-.Ltmp7, $4  }
0x94: {  	v1 =	vld [tilespmem:s16+$0x2470];
	v5 =	vadd.f32 v2, v5  }
0x95: {  	v2 =	vld [tilespmem:s16+$0x2440];
	v6 =	vadd.f32 v3, v6  }
0x96: {  	v3 =	vld [tilespmem:s16+$0x2450];
	v7 =	vadd.f32 v4, v7  }
0x97: {  	v4 =	vld [tilespmem:s16+$0x2460]  }
0x98: {  	_ = 	snop  }
0x99: {  	v0 =	vadd.f32 v1, v0  }
0x9a: {  	v2 =	vadd.f32 v2, v5  }
0x9b: {  	v3 =	vadd.f32 v3, v6;
	[tilespmem:s14+$0x54F0] =	vst v0  }
0x9c: {  	v4 =	vadd.f32 v4, v7;
	[tilespmem:s14+$0x54C0] =	vst v2  }
0x9d: {  	[tilespmem:s14+$0x54D0] =	vst v3  }
0x9e: {  	s16 =	simm.s32 $0x0;
	[tilespmem:s14+$0x54E0] =	vst v4  }
0x9f: {  	v1 =	vld [tilespmem:s16+$0x2970]  }
0xa0: {  	v2 =	vld [tilespmem:s16+$0x2940]  }
0xa1: {  	v5 =	vimm.f32 $0.0e+00;
	v3 =	vld [tilespmem:s16+$0x2950]  }
0xa2: {  	s15 =	simm.s32 $0x100;
	v0 =	vimm.f32 $0.0e+00;
	v6 =	vimm.f32 $0.0e+00;
	v7 =	vimm.f32 $0.0e+00;
	v4 =	vld [tilespmem:s16+$0x2960]  }
.LBB2_19:
0xa3: {  	p0 =	sne.s32 s15, $0x1300  }
.Ltmp8:
0xa4: {  	s16 =	sshra.s32 s15, $0x2;
	s15 =	sadd.s32 $0x100, s15;
	v0 =	vadd.f32 v1, v0;
	(pc) =	sbr.rel @p0 .LBB2_19-.Ltmp8, $4  }
0xa5: {  	v1 =	vld [tilespmem:s16+$0x2970];
	v5 =	vadd.f32 v2, v5  }
0xa6: {  	v2 =	vld [tilespmem:s16+$0x2940];
	v6 =	vadd.f32 v3, v6  }
0xa7: {  	v3 =	vld [tilespmem:s16+$0x2950];
	v7 =	vadd.f32 v4, v7  }
0xa8: {  	v4 =	vld [tilespmem:s16+$0x2960]  }
0xa9: {  	_ = 	snop  }
0xaa: {  	v0 =	vadd.f32 v1, v0  }
0xab: {  	v2 =	vadd.f32 v2, v5  }
0xac: {  	v3 =	vadd.f32 v3, v6;
	[tilespmem:s14+$0x5570] =	vst v0  }
0xad: {  	v4 =	vadd.f32 v4, v7;
	[tilespmem:s14+$0x5540] =	vst v2  }
0xae: {  	[tilespmem:s14+$0x5550] =	vst v3  }
0xaf: {  	s16 =	simm.s32 $0x0;
	[tilespmem:s14+$0x5560] =	vst v4  }
0xb0: {  	v1 =	vld [tilespmem:s16+$0x2E70]  }
0xb1: {  	v2 =	vld [tilespmem:s16+$0x2E40]  }
0xb2: {  	v5 =	vimm.f32 $0.0e+00;
	v3 =	vld [tilespmem:s16+$0x2E50]  }
0xb3: {  	s15 =	simm.s32 $0x100;
	v0 =	vimm.f32 $0.0e+00;
	v6 =	vimm.f32 $0.0e+00;
	v7 =	vimm.f32 $0.0e+00;
	v4 =	vld [tilespmem:s16+$0x2E60]  }
.LBB2_21:
0xb4: {  	p0 =	sne.s32 s15, $0x1300  }
.Ltmp9:
0xb5: {  	s16 =	sshra.s32 s15, $0x2;
	s15 =	sadd.s32 $0x100, s15;
	v0 =	vadd.f32 v1, v0;
	(pc) =	sbr.rel @p0 .LBB2_21-.Ltmp9, $4  }
0xb6: {  	v1 =	vld [tilespmem:s16+$0x2E70];
	v5 =	vadd.f32 v2, v5  }
0xb7: {  	v2 =	vld [tilespmem:s16+$0x2E40];
	v6 =	vadd.f32 v3, v6  }
0xb8: {  	v3 =	vld [tilespmem:s16+$0x2E50];
	v7 =	vadd.f32 v4, v7  }
0xb9: {  	v4 =	vld [tilespmem:s16+$0x2E60]  }
0xba: {  	_ = 	snop  }
0xbb: {  	v0 =	vadd.f32 v1, v0  }
0xbc: {  	v2 =	vadd.f32 v2, v5  }
0xbd: {  	v3 =	vadd.f32 v3, v6;
	[tilespmem:s14+$0x55F0] =	vst v0  }
0xbe: {  	v4 =	vadd.f32 v4, v7;
	[tilespmem:s14+$0x55C0] =	vst v2  }
0xbf: {  	[tilespmem:s14+$0x55D0] =	vst v3  }
0xc0: {  	s16 =	simm.s32 $0x0;
	[tilespmem:s14+$0x55E0] =	vst v4  }
0xc1: {  	v1 =	vld [tilespmem:s16+$0x3370]  }
0xc2: {  	v2 =	vld [tilespmem:s16+$0x3340]  }
0xc3: {  	v5 =	vimm.f32 $0.0e+00;
	v3 =	vld [tilespmem:s16+$0x3350]  }
0xc4: {  	s15 =	simm.s32 $0x100;
	v0 =	vimm.f32 $0.0e+00;
	v6 =	vimm.f32 $0.0e+00;
	v7 =	vimm.f32 $0.0e+00;
	v4 =	vld [tilespmem:s16+$0x3360]  }
.LBB2_23:
0xc5: {  	p0 =	sne.s32 s15, $0x1300  }
.Ltmp10:
0xc6: {  	s16 =	sshra.s32 s15, $0x2;
	s15 =	sadd.s32 $0x100, s15;
	v0 =	vadd.f32 v1, v0;
	(pc) =	sbr.rel @p0 .LBB2_23-.Ltmp10, $4  }
0xc7: {  	v1 =	vld [tilespmem:s16+$0x3370];
	v5 =	vadd.f32 v2, v5  }
0xc8: {  	v2 =	vld [tilespmem:s16+$0x3340];
	v6 =	vadd.f32 v3, v6  }
0xc9: {  	v3 =	vld [tilespmem:s16+$0x3350];
	v7 =	vadd.f32 v4, v7  }
0xca: {  	v4 =	vld [tilespmem:s16+$0x3360]  }
0xcb: {  	_ = 	snop  }
0xcc: {  	v0 =	vadd.f32 v1, v0  }
0xcd: {  	v2 =	vadd.f32 v2, v5  }
0xce: {  	v3 =	vadd.f32 v3, v6;
	[tilespmem:s14+$0x5670] =	vst v0  }
0xcf: {  	v4 =	vadd.f32 v4, v7;
	[tilespmem:s14+$0x5640] =	vst v2  }
0xd0: {  	[tilespmem:s14+$0x5650] =	vst v3  }
0xd1: {  	s16 =	simm.s32 $0x0;
	[tilespmem:s14+$0x5660] =	vst v4  }
0xd2: {  	v1 =	vld [tilespmem:s16+$0x3870]  }
0xd3: {  	v2 =	vld [tilespmem:s16+$0x3840]  }
0xd4: {  	v5 =	vimm.f32 $0.0e+00;
	v3 =	vld [tilespmem:s16+$0x3850]  }
0xd5: {  	s15 =	simm.s32 $0x100;
	v0 =	vimm.f32 $0.0e+00;
	v6 =	vimm.f32 $0.0e+00;
	v7 =	vimm.f32 $0.0e+00;
	v4 =	vld [tilespmem:s16+$0x3860]  }
.LBB2_25:
0xd6: {  	p0 =	sne.s32 s15, $0x1300  }
.Ltmp11:
0xd7: {  	s16 =	sshra.s32 s15, $0x2;
	s15 =	sadd.s32 $0x100, s15;
	v0 =	vadd.f32 v1, v0;
	(pc) =	sbr.rel @p0 .LBB2_25-.Ltmp11, $4  }
0xd8: {  	v1 =	vld [tilespmem:s16+$0x3870];
	v5 =	vadd.f32 v2, v5  }
0xd9: {  	v2 =	vld [tilespmem:s16+$0x3840];
	v6 =	vadd.f32 v3, v6  }
0xda: {  	v3 =	vld [tilespmem:s16+$0x3850];
	v7 =	vadd.f32 v4, v7  }
0xdb: {  	v4 =	vld [tilespmem:s16+$0x3860]  }
0xdc: {  	_ = 	snop  }
0xdd: {  	v0 =	vadd.f32 v1, v0  }
0xde: {  	v2 =	vadd.f32 v2, v5  }
0xdf: {  	v3 =	vadd.f32 v3, v6;
	[tilespmem:s14+$0x56F0] =	vst v0  }
0xe0: {  	v4 =	vadd.f32 v4, v7;
	[tilespmem:s14+$0x56C0] =	vst v2  }
0xe1: {  	[tilespmem:s14+$0x56D0] =	vst v3  }
0xe2: {  	s16 =	simm.s32 $0x0;
	[tilespmem:s14+$0x56E0] =	vst v4  }
0xe3: {  	v1 =	vld [tilespmem:s16+$0x3D70]  }
0xe4: {  	v2 =	vld [tilespmem:s16+$0x3D40]  }
0xe5: {  	v5 =	vimm.f32 $0.0e+00;
	v3 =	vld [tilespmem:s16+$0x3D50]  }
0xe6: {  	s15 =	simm.s32 $0x100;
	v0 =	vimm.f32 $0.0e+00;
	v6 =	vimm.f32 $0.0e+00;
	v7 =	vimm.f32 $0.0e+00;
	v4 =	vld [tilespmem:s16+$0x3D60]  }
.LBB2_27:
0xe7: {  	p0 =	sne.s32 s15, $0x1300  }
.Ltmp12:
0xe8: {  	s16 =	sshra.s32 s15, $0x2;
	s15 =	sadd.s32 $0x100, s15;
	v0 =	vadd.f32 v1, v0;
	(pc) =	sbr.rel @p0 .LBB2_27-.Ltmp12, $4  }
0xe9: {  	v1 =	vld [tilespmem:s16+$0x3D70];
	v5 =	vadd.f32 v2, v5  }
0xea: {  	v2 =	vld [tilespmem:s16+$0x3D40];
	v6 =	vadd.f32 v3, v6  }
0xeb: {  	v3 =	vld [tilespmem:s16+$0x3D50];
	v7 =	vadd.f32 v4, v7  }
0xec: {  	v4 =	vld [tilespmem:s16+$0x3D60]  }
0xed: {  	_ = 	snop  }
0xee: {  	v0 =	vadd.f32 v1, v0  }
0xef: {  	v2 =	vadd.f32 v2, v5  }
0xf0: {  	v3 =	vadd.f32 v3, v6;
	[tilespmem:s14+$0x5770] =	vst v0  }
0xf1: {  	v4 =	vadd.f32 v4, v7;
	[tilespmem:s14+$0x5740] =	vst v2  }
0xf2: {  	[tilespmem:s14+$0x5750] =	vst v3  }
0xf3: {  	s16 =	simm.s32 $0x0;
	[tilespmem:s14+$0x5760] =	vst v4  }
0xf4: {  	v1 =	vld [tilespmem:s16+$0x4270]  }
0xf5: {  	v2 =	vld [tilespmem:s16+$0x4240]  }
0xf6: {  	v5 =	vimm.f32 $0.0e+00;
	v3 =	vld [tilespmem:s16+$0x4250]  }
0xf7: {  	s15 =	simm.s32 $0x100;
	v0 =	vimm.f32 $0.0e+00;
	v6 =	vimm.f32 $0.0e+00;
	v7 =	vimm.f32 $0.0e+00;
	v4 =	vld [tilespmem:s16+$0x4260]  }
.LBB2_29:
0xf8: {  	p0 =	sne.s32 s15, $0x1300  }
.Ltmp13:
0xf9: {  	s16 =	sshra.s32 s15, $0x2;
	s15 =	sadd.s32 $0x100, s15;
	v0 =	vadd.f32 v1, v0;
	(pc) =	sbr.rel @p0 .LBB2_29-.Ltmp13, $4  }
0xfa: {  	v1 =	vld [tilespmem:s16+$0x4270];
	v5 =	vadd.f32 v2, v5  }
0xfb: {  	v2 =	vld [tilespmem:s16+$0x4240];
	v6 =	vadd.f32 v3, v6  }
0xfc: {  	v3 =	vld [tilespmem:s16+$0x4250];
	v7 =	vadd.f32 v4, v7  }
0xfd: {  	v4 =	vld [tilespmem:s16+$0x4260]  }
0xfe: {  	_ = 	snop  }
0xff: {  	v0 =	vadd.f32 v1, v0  }
0x100: {  	v2 =	vadd.f32 v2, v5  }
0x101: {  	v3 =	vadd.f32 v3, v6;
	[tilespmem:s14+$0x57F0] =	vst v0  }
0x102: {  	v4 =	vadd.f32 v4, v7;
	[tilespmem:s14+$0x57C0] =	vst v2  }
0x103: {  	[tilespmem:s14+$0x57D0] =	vst v3  }
0x104: {  	s16 =	simm.s32 $0x0;
	[tilespmem:s14+$0x57E0] =	vst v4  }
0x105: {  	v1 =	vld [tilespmem:s16+$0x4770]  }
0x106: {  	v2 =	vld [tilespmem:s16+$0x4740]  }
0x107: {  	v5 =	vimm.f32 $0.0e+00;
	v3 =	vld [tilespmem:s16+$0x4750]  }
0x108: {  	s15 =	simm.s32 $0x100;
	v0 =	vimm.f32 $0.0e+00;
	v6 =	vimm.f32 $0.0e+00;
	v7 =	vimm.f32 $0.0e+00;
	v4 =	vld [tilespmem:s16+$0x4760]  }
.LBB2_31:
0x109: {  	p0 =	sne.s32 s15, $0x1300  }
.Ltmp14:
0x10a: {  	s16 =	sshra.s32 s15, $0x2;
	s15 =	sadd.s32 $0x100, s15;
	v0 =	vadd.f32 v1, v0;
	(pc) =	sbr.rel @p0 .LBB2_31-.Ltmp14, $4  }
0x10b: {  	v1 =	vld [tilespmem:s16+$0x4770];
	v5 =	vadd.f32 v2, v5  }
0x10c: {  	v2 =	vld [tilespmem:s16+$0x4740];
	v6 =	vadd.f32 v3, v6  }
0x10d: {  	v3 =	vld [tilespmem:s16+$0x4750];
	v7 =	vadd.f32 v4, v7  }
0x10e: {  	v4 =	vld [tilespmem:s16+$0x4760]  }
0x10f: {  	_ = 	snop  }
0x110: {  	v0 =	vadd.f32 v1, v0  }
0x111: {  	v2 =	vadd.f32 v2, v5  }
0x112: {  	v3 =	vadd.f32 v3, v6;
	[tilespmem:s14+$0x5870] =	vst v0  }
0x113: {  	v4 =	vadd.f32 v4, v7;
	[tilespmem:s14+$0x5840] =	vst v2  }
0x114: {  	[tilespmem:s14+$0x5850] =	vst v3  }
0x115: {  	s16 =	simm.s32 $0x0;
	[tilespmem:s14+$0x5860] =	vst v4  }
0x116: {  	v1 =	vld [tilespmem:s16+$0x4C70]  }
0x117: {  	v2 =	vld [tilespmem:s16+$0x4C40]  }
0x118: {  	v5 =	vimm.f32 $0.0e+00;
	v3 =	vld [tilespmem:s16+$0x4C50]  }
0x119: {  	s15 =	simm.s32 $0x100;
	v0 =	vimm.f32 $0.0e+00;
	v6 =	vimm.f32 $0.0e+00;
	v7 =	vimm.f32 $0.0e+00;
	v4 =	vld [tilespmem:s16+$0x4C60]  }
.LBB2_33:
0x11a: {  	p0 =	sne.s32 s15, $0x1300  }
.Ltmp15:
0x11b: {  	s16 =	sshra.s32 s15, $0x2;
	s15 =	sadd.s32 $0x100, s15;
	v0 =	vadd.f32 v1, v0;
	(pc) =	sbr.rel @p0 .LBB2_33-.Ltmp15, $4  }
0x11c: {  	v1 =	vld [tilespmem:s16+$0x4C70];
	v5 =	vadd.f32 v2, v5  }
0x11d: {  	v2 =	vld [tilespmem:s16+$0x4C40];
	v6 =	vadd.f32 v3, v6  }
0x11e: {  	v3 =	vld [tilespmem:s16+$0x4C50];
	v7 =	vadd.f32 v4, v7  }
0x11f: {  	v4 =	vld [tilespmem:s16+$0x4C60]  }
0x120: {  	s13 =	sadd.s32 $0x1, s13  }
0x121: {  	v0 =	vadd.f32 v1, v0;
	p0 =	sne.s32 s13, $0x8  }
.Ltmp16:
0x122: {  	v2 =	vadd.f32 v2, v5;
	(pc) =	sbr.rel @p0 .LBB2_2-.Ltmp16, $4  }
0x123: {  	v3 =	vadd.f32 v3, v6;
	[tilespmem:s14+$0x58F0] =	vst v0  }
0x124: {  	v4 =	vadd.f32 v4, v7;
	[tilespmem:s14+$0x58C0] =	vst v2  }
0x125: {  	[tilespmem:s14+$0x58D0] =	vst v3  }
0x126: {  	[tilespmem:s14+$0x58E0] =	vst v4  }
0x127: {  	s12 =	sadd.s32 $0x1, s12  }
0x128: {  	p0 =	sne.s32 s12, s7  }
.Ltmp17:
0x129: {  	_ = 	snop;
	(pc) =	sbr.rel @p0 .LBB2_1-.Ltmp17, $4  }
0x12a: {  	[hbm4b:s6+s2] =	stream.linear.scatter [tilespmem:s11], [sflag:$0x2], $0x4000, $0x38;
	[tilespmem:$0x9140] =	vst v63  }
0x12b: {  	_ =	swait.ge [sflag:s8], $0x4000  }
0x12c: {  	[sflag:s8] =	ssyncset.done $0x0  }
0x12d: {  	[sflag:s8] =	ssyncadd.s32 $0xFFFFC000  }
0x12e: {  	_ =	sfence.sel $0x180000  }
0x12f: {  	[bflag:$0x0] =	sbarrier.arrive $0xFFFF  }
0x130: {  	p0 =	sne.s32 s1, $0x0;
	_ =	strace $0x9000004A  }
0x131: {  	s0 =	sadd.s32 @!p0 $0x100000, s0;
	[bflag:$0x2] =	sbarrier.arrive $0xFFFF  }
0x132: {  	[sflag:s0] =	ssyncadd.tile.s32 @!p0 $0x1;
	_ =	shalt  }
.Lfunc_end2:
_tile_overlayer_lowered:
.L_overlay_start_2:
0x133: {  	(tag) =	ssettag $0x2  }
0x134: {  	s0 =	rddreg [dreg:$0x0];
	s2 =	stileid.u32  }
0x135: {  	s1 =	rddreg [dreg:$0x1];
	p0 =	sne.s32 s2, $0x0  }
0x136: {  	s3 =	rddreg [dreg:$0x2];
	[bflag:$0x3] =	sbarrier.arrive $0xFFFF;
	s2 =	simm.s32 @!p0 $0x1C02  }
0x137: {  	[timem:s3], [sflag:s2] =	dma.local @!p0 [hbm:s0], s1  }
0x138: {  	s0 =	simm.s32 @!p0 $0x2  }
0x139: {  	_ =	swait.ge @!p0 [sflag:s0], s1  }
0x13a: {  	s1 =	ssub.s32 @!p0 $0x0, s1;
	[sflag:s0] =	ssyncset.done @!p0 $0x0  }
0x13b: {  	[sflag:s0] =	ssyncadd.s32 @!p0 s1  }
0x13c: {  	[bflag:$0x3] =	sbarrier.arrive $0xFFFF  }
0x13d: {  	_ =	shalt  }

// kernel: kernel.8.cloned.1.call-start
scs
__scs_entry_jumppad:
0x0: {  	(pc) =	sbr.rel $0x88, $3  }
0x1: {  	(tag) =	ssettag $0x0;
	lr =	simm.s32 $0x1  }
0x2: {  	[smem:$0x3F9D] =	sst lr;
	_ =	strace $0xD0000000  }
0x3: {  	_ = 	snop  }
0x4: {  	_ = 	snop  }
0x5: {  	_ = 	snop  }
0x6: {  	_ = 	snop  }
0x7: {  	_ = 	snop  }
__scs_overlays_trampoline_lowered:
0x8: {  	[smem:$0x3FAC] =	sst s0  }
0x9: {  	[smem:$0x3FAD] =	sst s1  }
0xa: {  	[smem:$0x3FAE] =	sst s2  }
0xb: {  	[smem:$0x3FAF] =	sst s3  }
0xc: {  	[smem:$0x3FB0] =	sst s4  }
0xd: {  	[smem:$0x3FB1] =	sst s5  }
0xe: {  	[smem:$0x3FB2] =	sst s6  }
0xf: {  	[smem:$0x3FB3] =	sst s7  }
0x10: {  	[smem:$0x3FB4] =	sst s8  }
0x11: {  	[smem:$0x3FB5] =	sst s9;
	s0 =	simm.s32 @!p0 $0x0  }
0x12: {  	s1 =	sld [smem:$0x3F9B];
	s0 =	simm.s32 @p0 $0x1  }
0x13: {  	[smem:$0x3FB6] =	sst s0;
	s0 =	simm.s32 @!p1 $0x0  }
0x14: {  	s2 =	sld [smem:$0x3F9A];
	s0 =	simm.s32 @p1 $0x1  }
0x15: {  	[smem:$0x3FB7] =	sst s0;
	s0 =	simm.s32 @!p2 $0x0  }
0x16: {  	s3 =	sld [smem:$0x3FDB];
	s0 =	simm.s32 @p2 $0x1  }
0x17: {  	s4 =	simm.s32 $0x1BF5;
	[smem:$0x3FB9] =	sst s0  }
0x18: {  	s0 =	sld [smem:$0x3F9C];
	_ =	swait.ge [sflag:s4], $0x0  }
0x19: {  	s7 =	sld [smem:$0x3F9D]  }
0x1a: {  	s8 =	sadd.s32 $0xFFFFE003, lr  }
0x1b: {  	s9 =	sadd.s32 $0xFFFFFEF7, lr;
	s5 =	simm.s32 $0xFFFFFFFF;
	p2 =	slt.u32 s8, $0xFFFFF086  }
0x1c: {  	p1 =	slt.u32 s9, $0xF7A;
	s5 =	simm.s32 @!p2 $0x0  }
0x1d: {  	s5 =	simm.s32 @p1 $0x1;
	p0 =	seq.s32 s7, s2  }
0x1e: {  	s7 =	smul.u32 @!p0 $0xF7A, s2;
	p2 =	seq.s32 @!p0 s5, $0x0  }
0x1f: {  	s9 =	smul.u32 $0xF7A, s1;
	s8 =	simm.s32 @!p0 $0x1BF5;
	p2 =	por !p2, p0  }
0x20: {  	[sflag:s8] =	ssyncset.s32 @!p0 $0xFFFFF086;
	s6 =	sadd.s32 @!p0 s3, s7;
	s7 =	simm.s32 @!p0 $0x108  }
0x21: {  	s3 =	sadd.s32 s3, s9;
	s6 =	sadd.s32 @!p0 $0x88, s6;
	s7 =	simm.s32 @p2 $0x1082  }
0x22: {  	[simem:s7], [sflag:s8] =	dma.local @!p0 [hbm:s6], $0xF7A  }
0x23: {  	s9 =	sor.u32 $0xD0000000, s2;
	s6 =	simm.s32 $0x108;
	_ =	swait.ge @!p0 [sflag:s8], $0x0  }
0x24: {  	s3 =	sadd.s32 $0x88, s3;
	s6 =	simm.s32 @!p1 $0x1082;
	[sflag:s4] =	ssyncset.s32 $0xFFFFF086  }
0x25: {  	[simem:s6], [sflag:s4] =	dma.local [hbm:s3], $0xF7A  }
0x26: {  	[smem:$0x3F9D] =	sst s1;
	(tag) =	ssettag s2;
	_ =	strace s9  }
0x27: {  	s1 =	sld [smem:$0x3FAD]  }
0x28: {  	s2 =	sld [smem:$0x3FAE]  }
0x29: {  	s4 =	sld [smem:$0x3FB0]  }
0x2a: {  	p0 =	seq.s32 s5, $0x0;
	s5 =	sld [smem:$0x3FB1]  }
0x2b: {  	s6 =	sld [smem:$0x3FB2]  }
0x2c: {  	s7 =	sld [smem:$0x3FB3]  }
0x2d: {  	s3 =	simm.s32 $0x108;
	s8 =	sld [smem:$0x3FB4]  }
0x2e: {  	s3 =	simm.s32 @!p0 $0x1082;
	s9 =	sld [smem:$0x3FB5]  }
0x2f: {  	lr =	sadd.s32 s0, s3;
	s0 =	sld [smem:$0x3FAC]  }
0x30: {  	s3 =	sld [smem:$0x3FAF]  }
0x31: {  	[smem:$0x3FB8] =	sst s10  }
0x32: {  	s10 =	sld [smem:$0x3FB6];
	_ =	sdelay $0x3  }
0x33: {  	p0 =	seq.s32 s10, $0x1;
	s10 =	sld [smem:$0x3FB8];
	_ =	sdelay $0x3  }
0x34: {  	[smem:$0x3FB8] =	sst s10  }
0x35: {  	s10 =	sld [smem:$0x3FB7];
	_ =	sdelay $0x3  }
0x36: {  	p1 =	seq.s32 s10, $0x1;
	s10 =	sld [smem:$0x3FB8];
	_ =	sdelay $0x3  }
0x37: {  	[smem:$0x3FB8] =	sst s10  }
0x38: {  	s10 =	sld [smem:$0x3FB9]  }
0x39: {  	_ = 	snop;
	(pc) =	sbr.ind lr, $3  }
0x3a: {  	_ = 	snop  }
0x3b: {  	_ = 	snop  }
0x3c: {  	p2 =	seq.s32 s10, $0x1;
	s10 =	sld [smem:$0x3FB8]  }
0x3d: {  	_ =	shalt  }
0x3e: {  	_ =	shalt  }
0x3f: {  	_ =	shalt  }
0x40: {  	_ =	shalt  }
0x41: {  	_ =	shalt  }
0x42: {  	_ =	shalt  }
0x43: {  	_ =	shalt  }
0x44: {  	_ =	shalt  }
0x45: {  	_ =	shalt  }
0x46: {  	_ =	shalt  }
0x47: {  	_ =	shalt  }
0x48: {  	_ =	shalt  }
0x49: {  	_ =	shalt  }
0x4a: {  	_ =	shalt  }
0x4b: {  	_ =	shalt  }
0x4c: {  	_ =	shalt  }
0x4d: {  	_ =	shalt  }
0x4e: {  	_ =	shalt  }
0x4f: {  	_ =	shalt  }
0x50: {  	_ =	shalt  }
0x51: {  	_ =	shalt  }
0x52: {  	_ =	shalt  }
0x53: {  	_ =	shalt  }
0x54: {  	_ =	shalt  }
0x55: {  	_ =	shalt  }
0x56: {  	_ =	shalt  }
0x57: {  	_ =	shalt  }
0x58: {  	_ =	shalt  }
0x59: {  	_ =	shalt  }
0x5a: {  	_ =	shalt  }
0x5b: {  	_ =	shalt  }
0x5c: {  	_ =	shalt  }
0x5d: {  	_ =	shalt  }
0x5e: {  	_ =	shalt  }
0x5f: {  	_ =	shalt  }
0x60: {  	_ =	shalt  }
0x61: {  	_ =	shalt  }
0x62: {  	_ =	shalt  }
0x63: {  	_ =	shalt  }
0x64: {  	_ =	shalt  }
0x65: {  	_ =	shalt  }
0x66: {  	_ =	shalt  }
0x67: {  	_ =	shalt  }
0x68: {  	_ =	shalt  }
0x69: {  	_ =	shalt  }
0x6a: {  	_ =	shalt  }
0x6b: {  	_ =	shalt  }
0x6c: {  	_ =	shalt  }
0x6d: {  	_ =	shalt  }
0x6e: {  	_ =	shalt  }
0x6f: {  	_ =	shalt  }
0x70: {  	_ =	shalt  }
0x71: {  	_ =	shalt  }
0x72: {  	_ =	shalt  }
0x73: {  	_ =	shalt  }
0x74: {  	_ =	shalt  }
0x75: {  	_ =	shalt  }
0x76: {  	_ =	shalt  }
0x77: {  	_ =	shalt  }
0x78: {  	_ =	shalt  }
0x79: {  	_ =	shalt  }
0x7a: {  	_ =	shalt  }
0x7b: {  	_ =	shalt  }
0x7c: {  	_ =	shalt  }
0x7d: {  	_ =	shalt  }
0x7e: {  	_ =	shalt  }
0x7f: {  	_ =	shalt  }
0x80: {  	_ =	shalt  }
0x81: {  	_ =	shalt  }
0x82: {  	_ =	shalt  }
0x83: {  	_ =	shalt  }
0x84: {  	_ =	shalt  }
0x85: {  	_ =	shalt  }
0x86: {  	_ =	shalt  }
0x87: {  	_ =	shalt  }
.Lfunc_end0:
.L_simem_size_0:
called_computation.1_lowered:
.L_overlay_start_0:
0x88: {  	s2 =	sld [smem:$0x3FD9]  }
0x89: {  	s3 =	sld [smem:$0x3FFE];
	_ =	sdelay $0x1  }
0x8a: {  	s1 =	srdreg.scid  }
0x8b: {  	s0 =	sand.u32 $0x1, s1  }
0x8c: {  	s16 =	sshll.u32 s0, $0xA;
	s2 =	sadd.s32 s3, s2  }
0x8d: {  	s2 =	sadd.s32 s2, s16  }
0x8e: {  	[smem:$0x3FC4] =	sst s2  }
0x8f: {  	_ = 	snop  }
0x90: {  	(tm) =	ssettm $0x1  }
0x91: {  	s17 =	sld [smem:$0x3FFB];
	_ =	sdelay $0x3  }
0x92: {  	_ =	strace s17  }
0x93: {  	s2 =	sld [smem:$0x3FFC];
	_ =	sdelay $0x3  }
0x94: {  	_ =	strace s2  }
0x95: {  	s2 =	sld [smem:$0x3FFD];
	_ =	sdelay $0x3  }
0x96: {  	_ =	strace s2  }
0x97: {  	_ =	strace $0x8FFFFFFF  }
0x98: {  	s18 =	sld [smem:$0x3FDB];
	_ =	sdelay $0x1  }
0x99: {  	s19 =	simm.s32 $_scs_section_size  }
0x9a: {  	s4 =	simm.s32 $_size__tile_overlayer_lowered;
	s5 =	simm.s32 $_tile_overlayer_lowered  }
0x9b: {  	s22 =	simm.s32 $0x1BFF;
	s21 =	sshll.u32 s5, $0x1;
	s2 =	sadd.s32 s19, s18  }
0x9c: {  	s6 =	simm.s32 $0x0;
	s20 =	sshll.u32 s4, $0x1;
	s4 =	sadd.s32 s21, s2  }
0x9d: {  	[timem:s6], [sflag:s22] =	dma.local [hbm:s4], s20  }
0x9e: {  	_ =	swait.ge [sflag:s22], s20  }
0x9f: {  	s3 =	ssub.s32 $0x0, s20;
	[sflag:s22] =	ssyncset.done $0x0  }
0xa0: {  	[sflag:s22] =	ssyncadd.s32 s3;
	_ =	sdelay $0x1  }
0xa1: {  	s23 =	simm.s32 $0x1B8B  }
0xa2: {  	_ =	swait.ge [sflag:s23], $0x1  }
0xa3: {  	[sflag:s23] =	ssyncset.done $0x0  }
0xa4: {  	s25 =	simm.s32 $0x1B8E;
	s24 =	sld [smem:$0x3FFE];
	[sflag:s23] =	ssyncadd.s32 $0xFFFFFFFF  }
0xa5: {  	s26 =	simm.s32 $execute0_lowered;
	[smem:$0x3FD2] =	sst s25  }
0xa6: {  	s4 =	sshll.u32 s26, $0x1;
	_ =	strace $0x80000046;
	[dreg:$0x1] =	wrdreg $0xFFFFFFFF  }
0xa7: {  	s28 =	simm.s32 $_size_execute0_lowered;
	s2 =	sadd.s32 s2, s4;
	[dreg:$0x0] =	wrdreg $0x0  }
0xa8: {  	s4 =	sshll.u32 s28, $0x1;
	[dreg:$0x2] =	wrdreg s2  }
0xa9: {  	[dreg:$0x3] =	wrdreg s4  }
0xaa: {  	[dreg:$0x4] =	wrdreg $0xC0  }
0xab: {  	_ =	task [dreg:s6], $0x5FFFF  }
0xac: {  	[dreg:$0x1] =	wrdreg $0xFFFFFFFF  }
0xad: {  	[dreg:$0x0] =	wrdreg $0x60  }
0xae: {  	[dreg:$0x2] =	wrdreg s24  }
0xaf: {  	[dreg:$0x3] =	wrdreg $0xA  }
0xb0: {  	_ =	task.clear_ibuf [dreg:s6], $0x4FFFF;
	_ =	strace $0x90000046  }
0xb1: {  	s29 =	simm.s32 $0xA;
	_ =	strace $0x80000048  }
0xb2: {  	_ =	swait.ge [sflag:s29], $0x1  }
0xb3: {  	[sflag:s29] =	ssyncadd.s32 $0xFFFFFFFF  }
0xb4: {  	_ =	strace $0x90000048  }
0xb5: {  	_ =	sfence  }
0xb6: {  	s30 =	sld [smem:$0x0];
	_ =	sdelay $0x2  }
0xb7: {  	s31 =	sshll.u32 s1, $0xD;
	s1 =	sshrl.u32 s1, $0x2  }
0xb8: {  	s3 =	sand.u32 $0x4000, s31;
	s1 =	sadd.s32 s1, s30  }
0xb9: {  	s0 =	sor.u32 s3, s0;
	s1 =	sshll.u32 s1, $0x11  }
0xba: {  	s0 =	sor.u32 s1, s0  }
0xbb: {  	s0 =	sadd.s32 $0x8F2B, s0  }
0xbc: {  	[sflag:s0] =	ssyncadd.remote.s32 $0x1  }
0xbd: {  	_ =	sfence.sel $0xFFFF  }
0xbe: {  	[dreg:$0x0] =	wrdreg $0xFFFFFFFF;
	(pc) =	sbr.abs _section_cstart, $3  }
0xbf: {  	[dreg:$0x1] =	wrdreg $0xFFFFFFFF  }
0xc0: {  	_ =	task.clear_ibuf [dreg:s6], $0x2FFFF;
	_ =	strace $0x9FFFFFFF  }
0xc1: {  	(tm) =	ssettm $0x7FFFFFFF  }
tec
execute0_lowered:
.L_overlay_start_1:
0x0: {  	(tag) =	ssettag $0x1  }
0x1: {  	s5 =	rddreg [dreg:$0x0]  }
0x2: {  	s0 =	rddreg [dreg:$0x1];
	s2 =	simm.s32 $0x0;
	s3 =	srdreg.scid  }
0x3: {  	s1 =	stileid.u32;
	s9 =	simm.s32 $0x320;
	s10 =	simm.s32 $0x1  }
0x4: {  	s11 =	simm.s32 $0xCB20;
	s12 =	simm.s32 $0x0;
	[smem:$0x7FF] =	sst s2  }
0x5: {  	s4 =	sand.u32 $0x1, s3;
	s30 =	sshll.u32 s1, $0x1;
	s3 =	sadd.s32 $0x1000, s5  }
0x6: {  	_ =	strace $0x80000047;
	s6 =	sor.u32 s4, s30;
	s8 =	ssub.s32 $0x2, s4  }
0x7: {  	s4 =	sadd.s32 $0xF43400, s5;
	s7 =	sshll.u32 s6, $0xB;
	s31 =	sshrl.u32 s8, $0x1  }
0x8: {  	s7 =	sadd.s32 s7, s5;
	s8 =	ssub.s32 s8, s31;
	s5 =	smul.u32 $0x6400, s6  }
0x9: {  	s6 =	sadd.s32 $0x1A000, s7;
	s7 =	smax.u32 s8, $0x1;
	s8 =	simm.s32 $0x2  }
.LBB2_1:
0xa: {  	s13 =	simm.s32 $0x0  }
.LBB2_2:
0xb: {  	s14 =	smul.u32 $0x320, s13;
	_ =	sdelay $0x1  }
0xc: {  	s14 =	sadd.s32 s5, s14  }
0xd: {  	s14 =	sshrl.u32 s14, $0x3  }
0xe: {  	s15 =	simm.s32 $0x0;
	s14 =	sadd.s32 s3, s14  }
0xf: {  	[tilespmem:s15], [sflag:$0x2] =	stream.linear.gather [hbm4b:s14+s15], $0x320, $0x38;
	[tilespmem:$0x10B20] =	vst v63  }
0x10: {  	_ =	swait.ge [sflag:s8], $0x320  }
0x11: {  	[sflag:s8] =	ssyncset.done $0x0  }
0x12: {  	[sflag:s8] =	ssyncadd.s32 $0xFFFFFCE0  }
0x13: {  	[tilespmem:s9], [sflag:$0x1] =	stream.indirect.gather [hbm4b:s4+s9], $0x40, s15, s9, $0xb8;
	[tilespmem:$0x10B20] =	vst v63  }
0x14: {  	_ =	swait.ge [sflag:s10], $0xC800  }
0x15: {  	[sflag:s10] =	ssyncset.done $0x0  }
0x16: {  	s31 =	simm.s32 $0x0;
	[sflag:s10] =	ssyncadd.s32 $0xFFFF3800  }
0x17: {  	v1 =	vld [tilespmem:s31+$0x350]  }
0x18: {  	v2 =	vld [tilespmem:s31+$0x320]  }
0x19: {  	v0 =	vimm.f32 $0.0e+00;
	v3 =	vld [tilespmem:s31+$0x330]  }
0x1a: {  	v7 =	vimm.f32 $0.0e+00;
	v6 =	vimm.f32 $0.0e+00;
	v5 =	vimm.f32 $0.0e+00;
	s14 =	simm.s32 $0x100;
	v4 =	vld [tilespmem:s31+$0x340]  }
.LBB2_3:
0x1b: {  	p0 =	sne.s32 s14, $0xC700  }
.Ltmp0:
0x1c: {  	s15 =	sshra.s32 s14, $0x2;
	s14 =	sadd.s32 $0x100, s14;
	v0 =	vadd.f32 v1, v0;
	(pc) =	sbr.rel @p0 .LBB2_3-.Ltmp0, $4  }
0x1d: {  	v1 =	vld [tilespmem:s15+$0x350];
	v7 =	vadd.f32 v2, v7  }
0x1e: {  	v2 =	vld [tilespmem:s15+$0x320];
	v6 =	vadd.f32 v3, v6  }
0x1f: {  	v3 =	vld [tilespmem:s15+$0x330];
	v5 =	vadd.f32 v4, v5  }
0x20: {  	v4 =	vld [tilespmem:s15+$0x340]  }
0x21: {  	_ = 	snop  }
0x22: {  	s14 =	sshll.u32 s13, $0x9;
	v0 =	vadd.f32 v1, v0  }
0x23: {  	s14 =	sand.u32 $0x3FFFFE00, s14;
	v2 =	vadd.f32 v2, v7  }
0x24: {  	v3 =	vadd.f32 v3, v6;
	[tilespmem:s14+$0xCB50] =	vst v0  }
0x25: {  	v4 =	vadd.f32 v4, v5;
	[tilespmem:s14+$0xCB20] =	vst v2  }
0x26: {  	[tilespmem:s14+$0xCB30] =	vst v3  }
0x27: {  	s16 =	simm.s32 $0x0;
	[tilespmem:s14+$0xCB40] =	vst v4  }
0x28: {  	v1 =	vld [tilespmem:s16+$0x3550]  }
0x29: {  	v2 =	vld [tilespmem:s16+$0x3520]  }
0x2a: {  	v7 =	vimm.f32 $0.0e+00;
	v3 =	vld [tilespmem:s16+$0x3530]  }
0x2b: {  	s15 =	simm.s32 $0x100;
	v0 =	vimm.f32 $0.0e+00;
	v6 =	vimm.f32 $0.0e+00;
	v5 =	vimm.f32 $0.0e+00;
	v4 =	vld [tilespmem:s16+$0x3540]  }
.LBB2_5:
0x2c: {  	p0 =	sne.s32 s15, $0xC700  }
.Ltmp1:
0x2d: {  	s16 =	sshra.s32 s15, $0x2;
	s15 =	sadd.s32 $0x100, s15;
	v0 =	vadd.f32 v1, v0;
	(pc) =	sbr.rel @p0 .LBB2_5-.Ltmp1, $4  }
0x2e: {  	v1 =	vld [tilespmem:s16+$0x3550];
	v5 =	vadd.f32 v2, v5  }
0x2f: {  	v2 =	vld [tilespmem:s16+$0x3520];
	v6 =	vadd.f32 v3, v6  }
0x30: {  	v3 =	vld [tilespmem:s16+$0x3530];
	v7 =	vadd.f32 v4, v7  }
0x31: {  	v4 =	vld [tilespmem:s16+$0x3540]  }
0x32: {  	_ = 	snop  }
0x33: {  	v0 =	vadd.f32 v1, v0  }
0x34: {  	v2 =	vadd.f32 v2, v5  }
0x35: {  	v3 =	vadd.f32 v3, v6;
	[tilespmem:s14+$0xCBD0] =	vst v0  }
0x36: {  	v4 =	vadd.f32 v4, v7;
	[tilespmem:s14+$0xCBA0] =	vst v2  }
0x37: {  	[tilespmem:s14+$0xCBB0] =	vst v3  }
0x38: {  	s16 =	simm.s32 $0x0;
	[tilespmem:s14+$0xCBC0] =	vst v4  }
0x39: {  	v1 =	vld [tilespmem:s16+$0x6750]  }
0x3a: {  	v2 =	vld [tilespmem:s16+$0x6720]  }
0x3b: {  	v5 =	vimm.f32 $0.0e+00;
	v3 =	vld [tilespmem:s16+$0x6730]  }
0x3c: {  	s15 =	simm.s32 $0x100;
	v0 =	vimm.f32 $0.0e+00;
	v6 =	vimm.f32 $0.0e+00;
	v7 =	vimm.f32 $0.0e+00;
	v4 =	vld [tilespmem:s16+$0x6740]  }
.LBB2_7:
0x3d: {  	p0 =	sne.s32 s15, $0xC700  }
.Ltmp2:
0x3e: {  	s16 =	sshra.s32 s15, $0x2;
	s15 =	sadd.s32 $0x100, s15;
	v0 =	vadd.f32 v1, v0;
	(pc) =	sbr.rel @p0 .LBB2_7-.Ltmp2, $4  }
0x3f: {  	v1 =	vld [tilespmem:s16+$0x6750];
	v5 =	vadd.f32 v2, v5  }
0x40: {  	v2 =	vld [tilespmem:s16+$0x6720];
	v6 =	vadd.f32 v3, v6  }
0x41: {  	v3 =	vld [tilespmem:s16+$0x6730];
	v7 =	vadd.f32 v4, v7  }
0x42: {  	v4 =	vld [tilespmem:s16+$0x6740]  }
0x43: {  	_ = 	snop  }
0x44: {  	v0 =	vadd.f32 v1, v0  }
0x45: {  	v2 =	vadd.f32 v2, v5  }
0x46: {  	v3 =	vadd.f32 v3, v6;
	[tilespmem:s14+$0xCC50] =	vst v0  }
0x47: {  	v4 =	vadd.f32 v4, v7;
	[tilespmem:s14+$0xCC20] =	vst v2  }
0x48: {  	[tilespmem:s14+$0xCC30] =	vst v3  }
0x49: {  	s16 =	simm.s32 $0x0;
	[tilespmem:s14+$0xCC40] =	vst v4  }
0x4a: {  	v1 =	vld [tilespmem:s16+$0x9950]  }
0x4b: {  	v2 =	vld [tilespmem:s16+$0x9920]  }
0x4c: {  	v5 =	vimm.f32 $0.0e+00;
	v3 =	vld [tilespmem:s16+$0x9930]  }
0x4d: {  	s15 =	simm.s32 $0x100;
	v0 =	vimm.f32 $0.0e+00;
	v6 =	vimm.f32 $0.0e+00;
	v7 =	vimm.f32 $0.0e+00;
	v4 =	vld [tilespmem:s16+$0x9940]  }
.LBB2_9:
0x4e: {  	p0 =	sne.s32 s15, $0xC700  }
.Ltmp3:
0x4f: {  	s16 =	sshra.s32 s15, $0x2;
	s15 =	sadd.s32 $0x100, s15;
	v0 =	vadd.f32 v1, v0;
	(pc) =	sbr.rel @p0 .LBB2_9-.Ltmp3, $4  }
0x50: {  	v1 =	vld [tilespmem:s16+$0x9950];
	v5 =	vadd.f32 v2, v5  }
0x51: {  	v2 =	vld [tilespmem:s16+$0x9920];
	v6 =	vadd.f32 v3, v6  }
0x52: {  	v3 =	vld [tilespmem:s16+$0x9930];
	v7 =	vadd.f32 v4, v7  }
0x53: {  	v4 =	vld [tilespmem:s16+$0x9940]  }
0x54: {  	s13 =	sadd.s32 $0x1, s13  }
0x55: {  	v0 =	vadd.f32 v1, v0;
	p0 =	sne.s32 s13, $0x20  }
.Ltmp4:
0x56: {  	v2 =	vadd.f32 v2, v5;
	(pc) =	sbr.rel @p0 .LBB2_2-.Ltmp4, $4  }
0x57: {  	v3 =	vadd.f32 v3, v6;
	[tilespmem:s14+$0xCCD0] =	vst v0  }
0x58: {  	v4 =	vadd.f32 v4, v7;
	[tilespmem:s14+$0xCCA0] =	vst v2  }
0x59: {  	[tilespmem:s14+$0xCCB0] =	vst v3  }
0x5a: {  	[tilespmem:s14+$0xCCC0] =	vst v4  }
0x5b: {  	s12 =	sadd.s32 $0x1, s12  }
0x5c: {  	p0 =	sne.s32 s12, s7  }
.Ltmp5:
0x5d: {  	_ = 	snop;
	(pc) =	sbr.rel @p0 .LBB2_1-.Ltmp5, $4  }
0x5e: {  	[hbm4b:s6+s2] =	stream.linear.scatter [tilespmem:s11], [sflag:$0x2], $0x4000, $0x38;
	[tilespmem:$0x10B20] =	vst v63  }
0x5f: {  	_ =	swait.ge [sflag:s8], $0x4000  }
0x60: {  	[sflag:s8] =	ssyncset.done $0x0  }
0x61: {  	[sflag:s8] =	ssyncadd.s32 $0xFFFFC000  }
0x62: {  	_ =	sfence.sel $0x180000  }
0x63: {  	[bflag:$0x0] =	sbarrier.arrive $0xFFFF  }
0x64: {  	p0 =	sne.s32 s1, $0x0;
	_ =	strace $0x90000047  }
0x65: {  	s0 =	sadd.s32 @!p0 $0x100000, s0;
	[bflag:$0x2] =	sbarrier.arrive $0xFFFF  }
0x66: {  	[sflag:s0] =	ssyncadd.tile.s32 @!p0 $0x1;
	_ =	shalt  }
.Lfunc_end2:
_tile_overlayer_lowered:
.L_overlay_start_2:
0x67: {  	(tag) =	ssettag $0x2  }
0x68: {  	s0 =	rddreg [dreg:$0x0];
	s2 =	stileid.u32  }
0x69: {  	s1 =	rddreg [dreg:$0x1];
	p0 =	sne.s32 s2, $0x0  }
0x6a: {  	s3 =	rddreg [dreg:$0x2];
	[bflag:$0x3] =	sbarrier.arrive $0xFFFF;
	s2 =	simm.s32 @!p0 $0x1C02  }
0x6b: {  	[timem:s3], [sflag:s2] =	dma.local @!p0 [hbm:s0], s1  }
0x6c: {  	s0 =	simm.s32 @!p0 $0x2  }
0x6d: {  	_ =	swait.ge @!p0 [sflag:s0], s1  }
0x6e: {  	s1 =	ssub.s32 @!p0 $0x0, s1;
	[sflag:s0] =	ssyncset.done @!p0 $0x0  }
0x6f: {  	[sflag:s0] =	ssyncadd.s32 @!p0 s1  }
0x70: {  	[bflag:$0x3] =	sbarrier.arrive $0xFFFF  }
0x71: {  	_ =	shalt  }

</sc_bundles>
